<compile_context>
chip_gen: v7x
topology: tpu7x:2x2x1
jax: 0.10.2.dev20260603
libtpu: 0.0.44.dev20260713+nightly
codegen_flags: <defaults>
</compile_context>

<pallas_src>
import functools

import jax
import jax.numpy as jnp
from jax import lax
from jax.experimental import pallas as pl
from jax.experimental.pallas import tpu as pltpu
from jax.experimental.pallas import tpu_sc as plsc

NC = 2
NS = 16
NW = NC * NS
CHUNK = 128


def _mesh():
  return plsc.VectorSubcoreMesh(core_axis_name="c", subcore_axis_name="s")


def _make_deg_kernel(nchunk, nrows, rpt):

  @functools.partial(
      pl.kernel,
      out_type=jax.ShapeDtypeStruct((NC, nrows), jnp.float32),
      mesh=_mesh(),
      compiler_params=pltpu.CompilerParams(use_tc_tiling_on_sc=False),
      scratch_types=[
          pltpu.VMEM((nchunk, CHUNK), jnp.int32),
          pltpu.VMEM((CHUNK,), jnp.float32),
          pltpu.VMEM_SHARED((nrows,), jnp.float32),
      ],
  )
  def deg_kernel(dst_hbm, zrow_hbm, ones_hbm, out_hbm, idx_v, ones_v, deg_sh):
    c = lax.axis_index("c")
    s = lax.axis_index("s")
    w = c * NS + s
    pltpu.sync_copy(dst_hbm.at[pl.ds(w * nchunk, nchunk)], idx_v)
    pltpu.sync_copy(ones_hbm, ones_v)
    pltpu.sync_copy(zrow_hbm, deg_sh.at[pl.ds(s * rpt, rpt)])
    plsc.subcore_barrier()

    def chunk_body(j, carry):
      pltpu.sync_copy(ones_v, deg_sh.at[idx_v.at[j]], add=True)
      return carry

    lax.fori_loop(0, nchunk, chunk_body, 0)
    plsc.subcore_barrier()
    pltpu.sync_copy(deg_sh.at[pl.ds(s * rpt, rpt)],
                    out_hbm.at[c, pl.ds(s * rpt, rpt)])

  return deg_kernel


def _make_agg_kernel(nchunk, nrows, rpt, dim_h):

  nhalf = nchunk // 2

  @functools.partial(
      pl.kernel,
      out_type=jax.ShapeDtypeStruct((NC, nrows, dim_h), jnp.float32),
      mesh=_mesh(),
      scratch_types=[
          pltpu.VMEM((nhalf, CHUNK), jnp.int32),
          pltpu.VMEM((nhalf, CHUNK), jnp.int32),
          pltpu.VMEM((CHUNK, dim_h), jnp.float32),
          pltpu.VMEM((CHUNK, dim_h), jnp.float32),
          pltpu.VMEM_SHARED((nrows, dim_h), jnp.float32),
          pltpu.SemaphoreType.DMA,
          pltpu.SemaphoreType.DMA,
      ],
  )
  def agg_kernel(hp_hbm, src_hbm, dst_hbm, zrows_hbm, out_hbm,
                 sidx_v, didx_v, buf0, buf1, agg_sh, gsem0, gsem1):
    c = lax.axis_index("c")
    s = lax.axis_index("s")
    w = c * NS + s
    pltpu.sync_copy(zrows_hbm, agg_sh.at[pl.ds(s * rpt, rpt)])
    plsc.subcore_barrier()

    bufs = (buf0, buf1)
    gsems = (gsem0, gsem1)

    def wait_gather(b, j):
      pltpu.make_async_copy(hp_hbm.at[sidx_v.at[j]], bufs[b], gsems[b]).wait()

    for h in range(2):
      base = w * nchunk + h * nhalf
      pltpu.sync_copy(src_hbm.at[pl.ds(base, nhalf)], sidx_v)
      pltpu.sync_copy(dst_hbm.at[pl.ds(base, nhalf)], didx_v)
      pltpu.async_copy(hp_hbm.at[sidx_v.at[0]], buf0, gsem0)

      def pair_body(i, carry):
        for b in range(2):
          j = 2 * i + b
          nb = 1 - b
          wait_gather(b, j)

          @pl.when(j + 1 < nhalf)
          def _():
            pltpu.async_copy(hp_hbm.at[sidx_v.at[j + 1]], bufs[nb], gsems[nb])

          pltpu.sync_copy(bufs[b], agg_sh.at[didx_v.at[j]], add=True)
        return carry

      lax.fori_loop(0, nhalf // 2, pair_body, 0)

    plsc.subcore_barrier()
    pltpu.sync_copy(agg_sh.at[pl.ds(s * rpt, rpt)],
                    out_hbm.at[c, pl.ds(s * rpt, rpt)])

  return agg_kernel


def _mm_body(x_ref, w1_ref, o_ref):
  o_ref[...] = jnp.dot(x_ref[...], w1_ref[...],
                       preferred_element_type=jnp.float32)


def _scale_body(h_ref, dega_ref, degb_ref, o_ref):
  deg = dega_ref[...] + degb_ref[...] + 1.0
  o_ref[...] = h_ref[...] * lax.rsqrt(deg)


def _head_body(sa_ref, sb_ref, hp_ref, dega_ref, degb_ref, bf_ref, b1_ref,
               w2_ref, b2_ref, o_ref, sums, counts):
  j = pl.program_id(0)

  @pl.when(j == 0)
  def _init():
    sums[...] = jnp.zeros_like(sums)
    counts[...] = jnp.zeros_like(counts)

  d = lax.rsqrt(dega_ref[...] + degb_ref[...] + 1.0)
  h2 = d * (sa_ref[...] + sb_ref[...] + hp_ref[...]) + b1_ref[...]
  h2 = jnp.maximum(h2, 0.0)
  gids = lax.broadcasted_iota(jnp.int32, (1, sums.shape[0]), 1
                              ).astype(jnp.float32)
  onehot = (bf_ref[...] == gids).astype(jnp.float32)
  sums[...] += jnp.dot(onehot.T, h2, preferred_element_type=jnp.float32)
  counts[...] += jnp.sum(onehot, axis=0, keepdims=True)

  @pl.when(j == pl.num_programs(0) - 1)
  def _finish():
    hg = sums[...] / jnp.maximum(counts[...], 1.0).T
    logits = jnp.dot(hg, w2_ref[...],
                     preferred_element_type=jnp.float32) + b2_ref[...]
    m = jnp.max(logits, axis=1, keepdims=True)
    lse = jnp.log(jnp.sum(jnp.exp(logits - m), axis=1, keepdims=True)) + m
    o_ref[...] = logits - lse


def kernel(x, edge_index, batch, W1, b1, W2, b2):
  n, d_feat = x.shape
  dim_h = W1.shape[1]
  n_classes = W2.shape[1]
  e = edge_index.shape[1]
  n_graphs = 128

  nchunk = -(-e // (NW * CHUNK))
  nchunk = (nchunk + 7) // 8 * 8
  e_pad = NW * CHUNK * nchunk
  src = edge_index[0].astype(jnp.int32)
  dst = edge_index[1].astype(jnp.int32)
  pad = e_pad - e
  src2d = jnp.concatenate([src, jnp.zeros((pad,), jnp.int32)]
                          ).reshape(NW * nchunk, CHUNK)
  dst2d = jnp.concatenate([dst, jnp.full((pad,), n, jnp.int32)]
                          ).reshape(NW * nchunk, CHUNK)

  rpt = ((-(-(n + 1) // NS)) + 7) // 8 * 8
  nrows = rpt * NS

  zrow = jnp.zeros((rpt,), jnp.float32)
  ones = jnp.ones((CHUNK,), jnp.float32)
  deg_parts = _make_deg_kernel(nchunk, nrows, rpt)(dst2d, zrow, ones)
  dega = deg_parts[0, :n].reshape(n, 1)
  degb = deg_parts[1, :n].reshape(n, 1)

  nb = 10
  blk = n // nb
  h1 = pl.pallas_call(
      _mm_body,
      grid=(nb,),
      in_specs=[
          pl.BlockSpec((blk, d_feat), lambda i: (i, 0)),
          pl.BlockSpec((d_feat, dim_h), lambda i: (0, 0)),
      ],
      out_specs=pl.BlockSpec((blk, dim_h), lambda i: (i, 0)),
      out_shape=jax.ShapeDtypeStruct((n, dim_h), jnp.float32),
  )(x, W1)
  hp = pl.pallas_call(
      _scale_body,
      grid=(nb,),
      in_specs=[
          pl.BlockSpec((blk, dim_h), lambda i: (i, 0)),
          pl.BlockSpec((blk, 1), lambda i: (i, 0)),
          pl.BlockSpec((blk, 1), lambda i: (i, 0)),
      ],
      out_specs=pl.BlockSpec((blk, dim_h), lambda i: (i, 0)),
      out_shape=jax.ShapeDtypeStruct((n, dim_h), jnp.float32),
  )(h1, dega, degb)

  zrows = jnp.zeros((rpt, dim_h), jnp.float32)
  agg_parts = _make_agg_kernel(nchunk, nrows, rpt, dim_h)(
      hp, src2d, dst2d, zrows)
  sa = agg_parts[0, :n, :]
  sb = agg_parts[1, :n, :]

  bf = batch.astype(jnp.float32).reshape(n, 1)
  out = pl.pallas_call(
      _head_body,
      grid=(nb,),
      in_specs=[
          pl.BlockSpec((blk, dim_h), lambda i: (i, 0)),
          pl.BlockSpec((blk, dim_h), lambda i: (i, 0)),
          pl.BlockSpec((blk, dim_h), lambda i: (i, 0)),
          pl.BlockSpec((blk, 1), lambda i: (i, 0)),
          pl.BlockSpec((blk, 1), lambda i: (i, 0)),
          pl.BlockSpec((blk, 1), lambda i: (i, 0)),
          pl.BlockSpec((1, dim_h), lambda i: (0, 0)),
          pl.BlockSpec((dim_h, n_classes), lambda i: (0, 0)),
          pl.BlockSpec((1, n_classes), lambda i: (0, 0)),
      ],
      out_specs=pl.BlockSpec((n_graphs, n_classes), lambda i: (0, 0)),
      out_shape=jax.ShapeDtypeStruct((n_graphs, n_classes), jnp.float32),
      scratch_shapes=[
          pltpu.VMEM((n_graphs, dim_h), jnp.float32),
          pltpu.VMEM((1, n_graphs), jnp.float32),
      ],
  )(sa, sb, hp, dega, degb, bf, b1.reshape(1, dim_h), W2,
    b2.reshape(1, n_classes))
  return out

# --- scband reference (transcript-rebuilt; emitter-appended) ---
"""Pipeline reference for scband-gcn-2276332667485 (READ-ONLY COPY).

The authoritative reference and input builder live on the scoring server;
editing this copy changes nothing except your own understanding.
"""

import jax, jax.numpy as jnp
import numpy as np

N = 10000
E = 320000
D_FEAT = 128
DIM_H = 128
N_CLASSES = 10
N_GRAPHS = 128


def setup_inputs(seed: int = 0) -> dict:
    key = jax.random.key(seed)
    k1, k2, k3, k4, k5, k6, k7 = jax.random.split(key, 7)
    x = jax.random.normal(k1, (N, D_FEAT), dtype=jnp.float32)
    edge_index = jax.random.randint(k2, (2, E), 0, N, dtype=jnp.int64)
    batch = jnp.sort(jax.random.randint(k3, (N,), 0, N_GRAPHS, dtype=jnp.int64))
    # GCNConv weights (glorot-like) and bias
    W1 = jax.random.normal(k4, (D_FEAT, DIM_H), dtype=jnp.float32) * (1.0 / np.sqrt(D_FEAT))
    b1 = jnp.zeros((DIM_H,), dtype=jnp.float32)
    # final Linear
    W2 = jax.random.normal(k5, (DIM_H, N_CLASSES), dtype=jnp.float32) * (1.0 / np.sqrt(DIM_H))
    b2 = jnp.zeros((N_CLASSES,), dtype=jnp.float32)
    return {"x": x, "edge_index": edge_index, "batch": batch, "W1": W1, "b1": b1, "W2": W2, "b2": b2}


def reference(x, edge_index, batch, W1, b1, W2, b2):
    # ---- GCNConv(d_feat -> dim_h) with self-loops + symmetric normalization ----
    loop = jnp.arange(N, dtype=edge_index.dtype)
    src = jnp.concatenate([edge_index[0], loop])
    dst = jnp.concatenate([edge_index[1], loop])
    h = x @ W1  # linear transform first (PyG default)
    ones = jnp.ones(src.shape[0], dtype=jnp.float32)
    deg = jnp.zeros((N,), dtype=jnp.float32).at[dst].add(ones)
    deg_inv_sqrt = jnp.where(deg > 0, jax.lax.rsqrt(jnp.maximum(deg, 1e-12)), 0.0)
    norm = deg_inv_sqrt[src] * deg_inv_sqrt[dst]
    msg = h[src] * norm[:, None]                      # gather (memory-bound)
    agg = jnp.zeros((N, DIM_H), dtype=jnp.float32).at[dst].add(msg)  # scatter-add
    h = agg + b1
    # ---- relu ----
    h = jax.nn.relu(h)
    # ---- global_mean_pool over graph-batch ----
    sums = jax.ops.segment_sum(h, batch, num_segments=N_GRAPHS)
    counts = jax.ops.segment_sum(jnp.ones((N,), dtype=jnp.float32), batch, num_segments=N_GRAPHS)
    hG = sums / jnp.maximum(counts, 1.0)[:, None]
    # ---- dropout(p=0.5) is identity in eval mode ----
    # ---- final linear + log_softmax ----
    logits = hG @ W2 + b2
    return jax.nn.log_softmax(logits, axis=1)

if __name__ == "__main__":
    import jax
    _d = setup_inputs()
    print(jax.jit(kernel)(*tuple(_d.values())))

</pallas_src>

<mosaic_0001>
#map = affine_map<(d0, d1) -> (0, 0)>
#map1 = affine_map<(d0, d1) -> (0)>
module attributes {stable_mosaic.version = 14 : i64} {
  func.func @deg_kernel(%arg0: i32, %arg1: i32, %arg2: memref<2560x128xi32, #tpu.memory_space<hbm>>, %arg3: memref<632xf32, #tpu.memory_space<hbm>>, %arg4: memref<128xf32, #tpu.memory_space<hbm>>, %arg5: memref<2x10112xf32, #tpu.memory_space<hbm>>, %arg6: memref<80x128xi32, #tpu.memory_space<vmem>>, %arg7: memref<128xf32, #tpu.memory_space<vmem>>, %arg8: memref<10112xf32, #tpu.memory_space<vmem_shared>>) attributes {dimension_semantics = [#tpu.dimension_semantics<core_parallel>, #tpu.dimension_semantics<subcore_parallel>], iteration_bounds = array<i64: 2, 16>, scalar_prefetch = 0 : i64, scratch_operands = 3 : i64, tpu.core_type = #tpu.core_type<sc_vector_subcore>, window_params = [{transform_indices = #map}, {transform_indices = #map1}, {transform_indices = #map1}, {transform_indices = #map}]} {
    %mul3A = arith.constant 16 : i32
    %mul3A_0 = arith.muli %arg0, %mul3A : i32
    %add3A = arith.addi %mul3A_0, %arg1 : i32
    %mul3A_1 = arith.constant 80 : i32
    %mul3A_2 = arith.muli %add3A, %mul3A_1 : i32
    "tpu.region"() ({
      %run_scoped3A = tpu.sem_alloc : memref<!tpu.dma_semaphore, #tpu.memory_space<semaphore_mem>>
      %dma_start3A = arith.constant 0 : i32
      %dma_start3A_15 = tpu.memref_slice %arg2[%mul3A_2, %dma_start3A] : memref<2560x128xi32, #tpu.memory_space<hbm>> -> memref<80x128xi32, #tpu.memory_space<hbm>>
      %dma_start3A_16 = arith.constant 0 : i32
      %dma_start3A_17 = tpu.memref_slice %arg2[%mul3A_2, %dma_start3A_16] : memref<2560x128xi32, #tpu.memory_space<hbm>> -> memref<80x128xi32, #tpu.memory_space<hbm>>
      tpu.enqueue_dma source(%dma_start3A_17 : memref<80x128xi32, #tpu.memory_space<hbm>>) target(%arg6 : memref<80x128xi32, #tpu.memory_space<vmem>>) target_semaphore(%run_scoped3A : memref<!tpu.dma_semaphore, #tpu.memory_space<semaphore_mem>>)
      %dma_wait3A = arith.constant 0 : i32
      %dma_wait3A_18 = tpu.memref_slice %arg2[%mul3A_2, %dma_wait3A] : memref<2560x128xi32, #tpu.memory_space<hbm>> -> memref<80x128xi32, #tpu.memory_space<hbm>>
      %dma_wait3A_19 = arith.constant 0 : i32
      %dma_wait3A_20 = tpu.memref_slice %arg2[%mul3A_2, %dma_wait3A_19] : memref<2560x128xi32, #tpu.memory_space<hbm>> -> memref<80x128xi32, #tpu.memory_space<hbm>>
      tpu.wait_dma2 semaphore(%run_scoped3A : memref<!tpu.dma_semaphore, #tpu.memory_space<semaphore_mem>>) src(%dma_wait3A_20 : memref<80x128xi32, #tpu.memory_space<hbm>>) dst(%arg6 : memref<80x128xi32, #tpu.memory_space<vmem>>)
      tpu.yield
    }) : () -> ()
    "tpu.region"() ({
      %run_scoped3A = tpu.sem_alloc : memref<!tpu.dma_semaphore, #tpu.memory_space<semaphore_mem>>
      tpu.enqueue_dma source(%arg4 : memref<128xf32, #tpu.memory_space<hbm>>) target(%arg7 : memref<128xf32, #tpu.memory_space<vmem>>) target_semaphore(%run_scoped3A : memref<!tpu.dma_semaphore, #tpu.memory_space<semaphore_mem>>)
      tpu.wait_dma2 semaphore(%run_scoped3A : memref<!tpu.dma_semaphore, #tpu.memory_space<semaphore_mem>>) src(%arg4 : memref<128xf32, #tpu.memory_space<hbm>>) dst(%arg7 : memref<128xf32, #tpu.memory_space<vmem>>)
      tpu.yield
    }) : () -> ()
    %mul3A_3 = arith.constant 632 : i32
    %mul3A_4 = arith.muli %arg1, %mul3A_3 : i32
    "tpu.region"() ({
      %run_scoped3A = tpu.sem_alloc : memref<!tpu.dma_semaphore, #tpu.memory_space<semaphore_mem>>
      %dma_start3A = tpu.memref_slice %arg8[%mul3A_4] : memref<10112xf32, #tpu.memory_space<vmem_shared>> -> memref<632xf32, #tpu.memory_space<vmem_shared>>
      tpu.enqueue_dma source(%arg3 : memref<632xf32, #tpu.memory_space<hbm>>) target(%dma_start3A : memref<632xf32, #tpu.memory_space<vmem_shared>>) target_semaphore(%run_scoped3A : memref<!tpu.dma_semaphore, #tpu.memory_space<semaphore_mem>>)
      %dma_wait3A = tpu.memref_slice %arg8[%mul3A_4] : memref<10112xf32, #tpu.memory_space<vmem_shared>> -> memref<632xf32, #tpu.memory_space<vmem_shared>>
      tpu.wait_dma2 semaphore(%run_scoped3A : memref<!tpu.dma_semaphore, #tpu.memory_space<semaphore_mem>>) src(%arg3 : memref<632xf32, #tpu.memory_space<hbm>>) dst(%dma_wait3A : memref<632xf32, #tpu.memory_space<vmem_shared>>)
      tpu.yield
    }) : () -> ()
    %barrier3A = arith.constant 0 : index
    tpu.barrier barrier_id(%barrier3A)
    %scan3A = arith.constant 0 : i32
    %scan3A_5 = arith.constant 0 : i32
    %scan3A_6 = arith.constant 80 : i32
    %scan3A_7 = arith.addi %scan3A_5, %scan3A_6 : i32
    %scan3A_8 = arith.constant 1 : i32
    scf.for %scan3A_15 = %scan3A_5 to %scan3A_7 step %scan3A_8  : i32 {
      "tpu.region"() ({
        %run_scoped3A = tpu.sem_alloc : memref<!tpu.dma_semaphore, #tpu.memory_space<semaphore_mem>>
        %dma_start3A = arith.constant 0 : i32
        %dma_start3A_16 = tpu.memref_slice %arg6[%scan3A_15, %dma_start3A] : memref<80x128xi32, #tpu.memory_space<vmem>> -> memref<1x128xi32, #tpu.memory_space<vmem>>
        %dma_start3A_17 = tpu.memref_squeeze %dma_start3A_16 : memref<1x128xi32, #tpu.memory_space<vmem>> -> memref<128xi32, #tpu.memory_space<vmem>>
        %dma_start3A_18 = arith.constant 0 : i32
        %dma_start3A_19 = tpu.memref_slice %arg8[%dma_start3A_18] : memref<10112xf32, #tpu.memory_space<vmem_shared>> -> memref<10112xf32, #tpu.memory_space<vmem_shared>>
        tpu.enqueue_indirect_dma source(%arg7 : memref<128xf32, #tpu.memory_space<vmem>>) target(%dma_start3A_19 : memref<10112xf32, #tpu.memory_space<vmem_shared>>) offsets(%dma_start3A_17 : memref<128xi32, #tpu.memory_space<vmem>>) semaphore(%run_scoped3A : memref<!tpu.dma_semaphore, #tpu.memory_space<semaphore_mem>>) {add = true}
        %dma_wait3A = arith.constant 0 : i32
        %dma_wait3A_20 = tpu.memref_slice %arg6[%scan3A_15, %dma_wait3A] : memref<80x128xi32, #tpu.memory_space<vmem>> -> memref<1x128xi32, #tpu.memory_space<vmem>>
        %dma_wait3A_21 = tpu.memref_squeeze %dma_wait3A_20 : memref<1x128xi32, #tpu.memory_space<vmem>> -> memref<128xi32, #tpu.memory_space<vmem>>
        %dma_wait3A_22 = arith.constant 0 : i32
        %dma_wait3A_23 = tpu.memref_slice %arg8[%dma_wait3A_22] : memref<10112xf32, #tpu.memory_space<vmem_shared>> -> memref<10112xf32, #tpu.memory_space<vmem_shared>>
        tpu.wait_indirect_dma semaphore(%run_scoped3A : memref<!tpu.dma_semaphore, #tpu.memory_space<semaphore_mem>>) src(%arg7 : memref<128xf32, #tpu.memory_space<vmem>>) dst(%dma_wait3A_23 : memref<10112xf32, #tpu.memory_space<vmem_shared>>)
        tpu.yield
      }) : () -> ()
    }
    %scan3A_9 = arith.constant 80 : i32
    %barrier3A_10 = arith.constant 0 : index
    tpu.barrier barrier_id(%barrier3A_10)
    %mul3A_11 = arith.constant 632 : i32
    %mul3A_12 = arith.muli %arg1, %mul3A_11 : i32
    %mul3A_13 = arith.constant 632 : i32
    %mul3A_14 = arith.muli %arg1, %mul3A_13 : i32
    "tpu.region"() ({
      %run_scoped3A = tpu.sem_alloc : memref<!tpu.dma_semaphore, #tpu.memory_space<semaphore_mem>>
      %dma_start3A = tpu.memref_slice %arg5[%arg0, %mul3A_14] : memref<2x10112xf32, #tpu.memory_space<hbm>> -> memref<1x632xf32, #tpu.memory_space<hbm>>
      %dma_start3A_15 = tpu.memref_squeeze %dma_start3A : memref<1x632xf32, #tpu.memory_space<hbm>> -> memref<632xf32, #tpu.memory_space<hbm>>
      %dma_start3A_16 = tpu.memref_slice %arg8[%mul3A_12] : memref<10112xf32, #tpu.memory_space<vmem_shared>> -> memref<632xf32, #tpu.memory_space<vmem_shared>>
      tpu.enqueue_dma source(%dma_start3A_16 : memref<632xf32, #tpu.memory_space<vmem_shared>>) target(%dma_start3A_15 : memref<632xf32, #tpu.memory_space<hbm>>) target_semaphore(%run_scoped3A : memref<!tpu.dma_semaphore, #tpu.memory_space<semaphore_mem>>)
      %dma_wait3A = tpu.memref_slice %arg5[%arg0, %mul3A_14] : memref<2x10112xf32, #tpu.memory_space<hbm>> -> memref<1x632xf32, #tpu.memory_space<hbm>>
      %dma_wait3A_17 = tpu.memref_squeeze %dma_wait3A : memref<1x632xf32, #tpu.memory_space<hbm>> -> memref<632xf32, #tpu.memory_space<hbm>>
      %dma_wait3A_18 = tpu.memref_slice %arg8[%mul3A_12] : memref<10112xf32, #tpu.memory_space<vmem_shared>> -> memref<632xf32, #tpu.memory_space<vmem_shared>>
      tpu.wait_dma2 semaphore(%run_scoped3A : memref<!tpu.dma_semaphore, #tpu.memory_space<semaphore_mem>>) src(%dma_wait3A_18 : memref<632xf32, #tpu.memory_space<vmem_shared>>) dst(%dma_wait3A_17 : memref<632xf32, #tpu.memory_space<hbm>>)
      tpu.yield
    }) : () -> ()
    return
  }
}

#map = affine_map<(d0, d1) -> (0, 0)>
#map1 = affine_map<(d0, d1) -> (0, 0, 0)>
module attributes {stable_mosaic.version = 14 : i64} {
  func.func @agg_kernel(%arg0: i32, %arg1: i32, %arg2: memref<10000x128xf32, #tpu.memory_space<hbm>>, %arg3: memref<2560x128xi32, #tpu.memory_space<hbm>>, %arg4: memref<2560x128xi32, #tpu.memory_space<hbm>>, %arg5: memref<632x128xf32, #tpu.memory_space<hbm>>, %arg6: memref<2x10112x128xf32, #tpu.memory_space<hbm>>, %arg7: memref<40x128xi32, #tpu.memory_space<vmem>>, %arg8: memref<40x128xi32, #tpu.memory_space<vmem>>, %arg9: memref<128x128xf32, #tpu.memory_space<vmem>>, %arg10: memref<128x128xf32, #tpu.memory_space<vmem>>, %arg11: memref<10112x128xf32, #tpu.memory_space<vmem_shared>>, %arg12: memref<!tpu.dma_semaphore, #tpu.memory_space<semaphore_mem>>, %arg13: memref<!tpu.dma_semaphore, #tpu.memory_space<semaphore_mem>>) attributes {dimension_semantics = [#tpu.dimension_semantics<core_parallel>, #tpu.dimension_semantics<subcore_parallel>], iteration_bounds = array<i64: 2, 16>, scalar_prefetch = 0 : i64, scratch_operands = 7 : i64, tpu.core_type = #tpu.core_type<sc_vector_subcore>, window_params = [{transform_indices = #map}, {transform_indices = #map}, {transform_indices = #map}, {transform_indices = #map}, {transform_indices = #map1}]} {
    %mul3A = arith.constant 16 : i32
    %mul3A_0 = arith.muli %arg0, %mul3A : i32
    %add3A = arith.addi %mul3A_0, %arg1 : i32
    %mul3A_1 = arith.constant 632 : i32
    %mul3A_2 = arith.muli %arg1, %mul3A_1 : i32
    "tpu.region"() ({
      %run_scoped3A = tpu.sem_alloc : memref<!tpu.dma_semaphore, #tpu.memory_space<semaphore_mem>>
      %dma_start3A_40 = arith.constant 0 : i32
      %dma_start3A_41 = tpu.memref_slice %arg11[%mul3A_2, %dma_start3A_40] : memref<10112x128xf32, #tpu.memory_space<vmem_shared>> -> memref<632x128xf32, #tpu.memory_space<vmem_shared>>
      tpu.enqueue_dma source(%arg5 : memref<632x128xf32, #tpu.memory_space<hbm>>) target(%dma_start3A_41 : memref<632x128xf32, #tpu.memory_space<vmem_shared>>) target_semaphore(%run_scoped3A : memref<!tpu.dma_semaphore, #tpu.memory_space<semaphore_mem>>)
      %dma_wait3A = arith.constant 0 : i32
      %dma_wait3A_42 = tpu.memref_slice %arg11[%mul3A_2, %dma_wait3A] : memref<10112x128xf32, #tpu.memory_space<vmem_shared>> -> memref<632x128xf32, #tpu.memory_space<vmem_shared>>
      tpu.wait_dma2 semaphore(%run_scoped3A : memref<!tpu.dma_semaphore, #tpu.memory_space<semaphore_mem>>) src(%arg5 : memref<632x128xf32, #tpu.memory_space<hbm>>) dst(%dma_wait3A_42 : memref<632x128xf32, #tpu.memory_space<vmem_shared>>)
      tpu.yield
    }) : () -> ()
    %barrier3A = arith.constant 0 : index
    tpu.barrier barrier_id(%barrier3A)
    %mul3A_3 = arith.constant 80 : i32
    %mul3A_4 = arith.muli %add3A, %mul3A_3 : i32
    %add3A_5 = arith.constant 0 : i32
    %add3A_6 = arith.addi %mul3A_4, %add3A_5 : i32
    "tpu.region"() ({
      %run_scoped3A = tpu.sem_alloc : memref<!tpu.dma_semaphore, #tpu.memory_space<semaphore_mem>>
      %dma_start3A_40 = arith.constant 0 : i32
      %dma_start3A_41 = tpu.memref_slice %arg3[%add3A_6, %dma_start3A_40] : memref<2560x128xi32, #tpu.memory_space<hbm>> -> memref<40x128xi32, #tpu.memory_space<hbm>>
      %dma_start3A_42 = arith.constant 0 : i32
      %dma_start3A_43 = tpu.memref_slice %arg3[%add3A_6, %dma_start3A_42] : memref<2560x128xi32, #tpu.memory_space<hbm>> -> memref<40x128xi32, #tpu.memory_space<hbm>>
      tpu.enqueue_dma source(%dma_start3A_43 : memref<40x128xi32, #tpu.memory_space<hbm>>) target(%arg7 : memref<40x128xi32, #tpu.memory_space<vmem>>) target_semaphore(%run_scoped3A : memref<!tpu.dma_semaphore, #tpu.memory_space<semaphore_mem>>)
      %dma_wait3A = arith.constant 0 : i32
      %dma_wait3A_44 = tpu.memref_slice %arg3[%add3A_6, %dma_wait3A] : memref<2560x128xi32, #tpu.memory_space<hbm>> -> memref<40x128xi32, #tpu.memory_space<hbm>>
      %dma_wait3A_45 = arith.constant 0 : i32
      %dma_wait3A_46 = tpu.memref_slice %arg3[%add3A_6, %dma_wait3A_45] : memref<2560x128xi32, #tpu.memory_space<hbm>> -> memref<40x128xi32, #tpu.memory_space<hbm>>
      tpu.wait_dma2 semaphore(%run_scoped3A : memref<!tpu.dma_semaphore, #tpu.memory_space<semaphore_mem>>) src(%dma_wait3A_46 : memref<40x128xi32, #tpu.memory_space<hbm>>) dst(%arg7 : memref<40x128xi32, #tpu.memory_space<vmem>>)
      tpu.yield
    }) : () -> ()
    "tpu.region"() ({
      %run_scoped3A = tpu.sem_alloc : memref<!tpu.dma_semaphore, #tpu.memory_space<semaphore_mem>>
      %dma_start3A_40 = arith.constant 0 : i32
      %dma_start3A_41 = tpu.memref_slice %arg4[%add3A_6, %dma_start3A_40] : memref<2560x128xi32, #tpu.memory_space<hbm>> -> memref<40x128xi32, #tpu.memory_space<hbm>>
      %dma_start3A_42 = arith.constant 0 : i32
      %dma_start3A_43 = tpu.memref_slice %arg4[%add3A_6, %dma_start3A_42] : memref<2560x128xi32, #tpu.memory_space<hbm>> -> memref<40x128xi32, #tpu.memory_space<hbm>>
      tpu.enqueue_dma source(%dma_start3A_43 : memref<40x128xi32, #tpu.memory_space<hbm>>) target(%arg8 : memref<40x128xi32, #tpu.memory_space<vmem>>) target_semaphore(%run_scoped3A : memref<!tpu.dma_semaphore, #tpu.memory_space<semaphore_mem>>)
      %dma_wait3A = arith.constant 0 : i32
      %dma_wait3A_44 = tpu.memref_slice %arg4[%add3A_6, %dma_wait3A] : memref<2560x128xi32, #tpu.memory_space<hbm>> -> memref<40x128xi32, #tpu.memory_space<hbm>>
      %dma_wait3A_45 = arith.constant 0 : i32
      %dma_wait3A_46 = tpu.memref_slice %arg4[%add3A_6, %dma_wait3A_45] : memref<2560x128xi32, #tpu.memory_space<hbm>> -> memref<40x128xi32, #tpu.memory_space<hbm>>
      tpu.wait_dma2 semaphore(%run_scoped3A : memref<!tpu.dma_semaphore, #tpu.memory_space<semaphore_mem>>) src(%dma_wait3A_46 : memref<40x128xi32, #tpu.memory_space<hbm>>) dst(%arg8 : memref<40x128xi32, #tpu.memory_space<vmem>>)
      tpu.yield
    }) : () -> ()
    %dma_start3A = arith.constant 0 : i32
    %dma_start3A_7 = arith.constant 0 : i32
    %dma_start3A_8 = tpu.memref_slice %arg7[%dma_start3A, %dma_start3A_7] : memref<40x128xi32, #tpu.memory_space<vmem>> -> memref<1x128xi32, #tpu.memory_space<vmem>>
    %dma_start3A_9 = tpu.memref_squeeze %dma_start3A_8 : memref<1x128xi32, #tpu.memory_space<vmem>> -> memref<128xi32, #tpu.memory_space<vmem>>
    %dma_start3A_10 = arith.constant 0 : i32
    %dma_start3A_11 = arith.constant 0 : i32
    %dma_start3A_12 = tpu.memref_slice %arg2[%dma_start3A_10, %dma_start3A_11] : memref<10000x128xf32, #tpu.memory_space<hbm>> -> memref<10000x128xf32, #tpu.memory_space<hbm>>
    tpu.enqueue_indirect_dma source(%dma_start3A_12 : memref<10000x128xf32, #tpu.memory_space<hbm>>) target(%arg9 : memref<128x128xf32, #tpu.memory_space<vmem>>) offsets(%dma_start3A_9 : memref<128xi32, #tpu.memory_space<vmem>>) semaphore(%arg12 : memref<!tpu.dma_semaphore, #tpu.memory_space<semaphore_mem>>)
    %scan3A = arith.constant 0 : i32
    %scan3A_13 = arith.constant 0 : i32
    %scan3A_14 = arith.constant 20 : i32
    %scan3A_15 = arith.addi %scan3A_13, %scan3A_14 : i32
    %scan3A_16 = arith.constant 1 : i32
    scf.for %scan3A_40 = %scan3A_13 to %scan3A_15 step %scan3A_16  : i32 {
      %mul3A_41 = arith.constant 2 : i32
      %mul3A_42 = arith.muli %mul3A_41, %scan3A_40 : i32
      %add3A_43 = arith.constant 0 : i32
      %add3A_44 = arith.addi %mul3A_42, %add3A_43 : i32
      %dma_wait3A = arith.constant 0 : i32
      %dma_wait3A_45 = tpu.memref_slice %arg7[%add3A_44, %dma_wait3A] : memref<40x128xi32, #tpu.memory_space<vmem>> -> memref<1x128xi32, #tpu.memory_space<vmem>>
      %dma_wait3A_46 = tpu.memref_squeeze %dma_wait3A_45 : memref<1x128xi32, #tpu.memory_space<vmem>> -> memref<128xi32, #tpu.memory_space<vmem>>
      %dma_wait3A_47 = arith.constant 0 : i32
      %dma_wait3A_48 = arith.constant 0 : i32
      %dma_wait3A_49 = tpu.memref_slice %arg2[%dma_wait3A_47, %dma_wait3A_48] : memref<10000x128xf32, #tpu.memory_space<hbm>> -> memref<10000x128xf32, #tpu.memory_space<hbm>>
      tpu.wait_indirect_dma semaphore(%arg12 : memref<!tpu.dma_semaphore, #tpu.memory_space<semaphore_mem>>) src(%dma_wait3A_49 : memref<10000x128xf32, #tpu.memory_space<hbm>>) dst(%arg9 : memref<128x128xf32, #tpu.memory_space<vmem>>)
      %add3A_50 = arith.constant 1 : i32
      %add3A_51 = arith.addi %add3A_44, %add3A_50 : i32
      %lt3A = arith.constant 40 : i32
      %lt3A_52 = arith.cmpi slt, %add3A_51, %lt3A : i32
      %convert_element_type3A = arith.extui %lt3A_52 : i1 to i32
      %cond3A = arith.constant 0 : i32
      %cond3A_53 = arith.cmpi ne, %convert_element_type3A, %cond3A : i32
      scf.if %cond3A_53 {
        %add3A_71 = arith.constant 1 : i32
        %add3A_72 = arith.addi %add3A_44, %add3A_71 : i32
        %dma_start3A_73 = arith.constant 0 : i32
        %dma_start3A_74 = tpu.memref_slice %arg7[%add3A_72, %dma_start3A_73] : memref<40x128xi32, #tpu.memory_space<vmem>> -> memref<1x128xi32, #tpu.memory_space<vmem>>
        %dma_start3A_75 = tpu.memref_squeeze %dma_start3A_74 : memref<1x128xi32, #tpu.memory_space<vmem>> -> memref<128xi32, #tpu.memory_space<vmem>>
        %dma_start3A_76 = arith.constant 0 : i32
        %dma_start3A_77 = arith.constant 0 : i32
        %dma_start3A_78 = tpu.memref_slice %arg2[%dma_start3A_76, %dma_start3A_77] : memref<10000x128xf32, #tpu.memory_space<hbm>> -> memref<10000x128xf32, #tpu.memory_space<hbm>>
        tpu.enqueue_indirect_dma source(%dma_start3A_78 : memref<10000x128xf32, #tpu.memory_space<hbm>>) target(%arg10 : memref<128x128xf32, #tpu.memory_space<vmem>>) offsets(%dma_start3A_75 : memref<128xi32, #tpu.memory_space<vmem>>) semaphore(%arg13 : memref<!tpu.dma_semaphore, #tpu.memory_space<semaphore_mem>>)
      } else {
      }
      "tpu.region"() ({
        %run_scoped3A = tpu.sem_alloc : memref<!tpu.dma_semaphore, #tpu.memory_space<semaphore_mem>>
        %dma_start3A_71 = arith.constant 0 : i32
        %dma_start3A_72 = tpu.memref_slice %arg8[%add3A_44, %dma_start3A_71] : memref<40x128xi32, #tpu.memory_space<vmem>> -> memref<1x128xi32, #tpu.memory_space<vmem>>
        %dma_start3A_73 = tpu.memref_squeeze %dma_start3A_72 : memref<1x128xi32, #tpu.memory_space<vmem>> -> memref<128xi32, #tpu.memory_space<vmem>>
        %dma_start3A_74 = arith.constant 0 : i32
        %dma_start3A_75 = arith.constant 0 : i32
        %dma_start3A_76 = tpu.memref_slice %arg11[%dma_start3A_74, %dma_start3A_75] : memref<10112x128xf32, #tpu.memory_space<vmem_shared>> -> memref<10112x128xf32, #tpu.memory_space<vmem_shared>>
        tpu.enqueue_indirect_dma source(%arg9 : memref<128x128xf32, #tpu.memory_space<vmem>>) target(%dma_start3A_76 : memref<10112x128xf32, #tpu.memory_space<vmem_shared>>) offsets(%dma_start3A_73 : memref<128xi32, #tpu.memory_space<vmem>>) semaphore(%run_scoped3A : memref<!tpu.dma_semaphore, #tpu.memory_space<semaphore_mem>>) {add = true}
        %dma_wait3A_77 = arith.constant 0 : i32
        %dma_wait3A_78 = tpu.memref_slice %arg8[%add3A_44, %dma_wait3A_77] : memref<40x128xi32, #tpu.memory_space<vmem>> -> memref<1x128xi32, #tpu.memory_space<vmem>>
        %dma_wait3A_79 = tpu.memref_squeeze %dma_wait3A_78 : memref<1x128xi32, #tpu.memory_space<vmem>> -> memref<128xi32, #tpu.memory_space<vmem>>
        %dma_wait3A_80 = arith.constant 0 : i32
        %dma_wait3A_81 = arith.constant 0 : i32
        %dma_wait3A_82 = tpu.memref_slice %arg11[%dma_wait3A_80, %dma_wait3A_81] : memref<10112x128xf32, #tpu.memory_space<vmem_shared>> -> memref<10112x128xf32, #tpu.memory_space<vmem_shared>>
        tpu.wait_indirect_dma semaphore(%run_scoped3A : memref<!tpu.dma_semaphore, #tpu.memory_space<semaphore_mem>>) src(%arg9 : memref<128x128xf32, #tpu.memory_space<vmem>>) dst(%dma_wait3A_82 : memref<10112x128xf32, #tpu.memory_space<vmem_shared>>)
        tpu.yield
      }) : () -> ()
      %mul3A_54 = arith.constant 2 : i32
      %mul3A_55 = arith.muli %mul3A_54, %scan3A_40 : i32
      %add3A_56 = arith.constant 1 : i32
      %add3A_57 = arith.addi %mul3A_55, %add3A_56 : i32
      %dma_wait3A_58 = arith.constant 0 : i32
      %dma_wait3A_59 = tpu.memref_slice %arg7[%add3A_57, %dma_wait3A_58] : memref<40x128xi32, #tpu.memory_space<vmem>> -> memref<1x128xi32, #tpu.memory_space<vmem>>
      %dma_wait3A_60 = tpu.memref_squeeze %dma_wait3A_59 : memref<1x128xi32, #tpu.memory_space<vmem>> -> memref<128xi32, #tpu.memory_space<vmem>>
      %dma_wait3A_61 = arith.constant 0 : i32
      %dma_wait3A_62 = arith.constant 0 : i32
      %dma_wait3A_63 = tpu.memref_slice %arg2[%dma_wait3A_61, %dma_wait3A_62] : memref<10000x128xf32, #tpu.memory_space<hbm>> -> memref<10000x128xf32, #tpu.memory_space<hbm>>
      tpu.wait_indirect_dma semaphore(%arg13 : memref<!tpu.dma_semaphore, #tpu.memory_space<semaphore_mem>>) src(%dma_wait3A_63 : memref<10000x128xf32, #tpu.memory_space<hbm>>) dst(%arg10 : memref<128x128xf32, #tpu.memory_space<vmem>>)
      %add3A_64 = arith.constant 1 : i32
      %add3A_65 = arith.addi %add3A_57, %add3A_64 : i32
      %lt3A_66 = arith.constant 40 : i32
      %lt3A_67 = arith.cmpi slt, %add3A_65, %lt3A_66 : i32
      %convert_element_type3A_68 = arith.extui %lt3A_67 : i1 to i32
      %cond3A_69 = arith.constant 0 : i32
      %cond3A_70 = arith.cmpi ne, %convert_element_type3A_68, %cond3A_69 : i32
      scf.if %cond3A_70 {
        %add3A_71 = arith.constant 1 : i32
        %add3A_72 = arith.addi %add3A_57, %add3A_71 : i32
        %dma_start3A_73 = arith.constant 0 : i32
        %dma_start3A_74 = tpu.memref_slice %arg7[%add3A_72, %dma_start3A_73] : memref<40x128xi32, #tpu.memory_space<vmem>> -> memref<1x128xi32, #tpu.memory_space<vmem>>
        %dma_start3A_75 = tpu.memref_squeeze %dma_start3A_74 : memref<1x128xi32, #tpu.memory_space<vmem>> -> memref<128xi32, #tpu.memory_space<vmem>>
        %dma_start3A_76 = arith.constant 0 : i32
        %dma_start3A_77 = arith.constant 0 : i32
        %dma_start3A_78 = tpu.memref_slice %arg2[%dma_start3A_76, %dma_start3A_77] : memref<10000x128xf32, #tpu.memory_space<hbm>> -> memref<10000x128xf32, #tpu.memory_space<hbm>>
        tpu.enqueue_indirect_dma source(%dma_start3A_78 : memref<10000x128xf32, #tpu.memory_space<hbm>>) target(%arg9 : memref<128x128xf32, #tpu.memory_space<vmem>>) offsets(%dma_start3A_75 : memref<128xi32, #tpu.memory_space<vmem>>) semaphore(%arg12 : memref<!tpu.dma_semaphore, #tpu.memory_space<semaphore_mem>>)
      } else {
      }
      "tpu.region"() ({
        %run_scoped3A = tpu.sem_alloc : memref<!tpu.dma_semaphore, #tpu.memory_space<semaphore_mem>>
        %dma_start3A_71 = arith.constant 0 : i32
        %dma_start3A_72 = tpu.memref_slice %arg8[%add3A_57, %dma_start3A_71] : memref<40x128xi32, #tpu.memory_space<vmem>> -> memref<1x128xi32, #tpu.memory_space<vmem>>
        %dma_start3A_73 = tpu.memref_squeeze %dma_start3A_72 : memref<1x128xi32, #tpu.memory_space<vmem>> -> memref<128xi32, #tpu.memory_space<vmem>>
        %dma_start3A_74 = arith.constant 0 : i32
        %dma_start3A_75 = arith.constant 0 : i32
        %dma_start3A_76 = tpu.memref_slice %arg11[%dma_start3A_74, %dma_start3A_75] : memref<10112x128xf32, #tpu.memory_space<vmem_shared>> -> memref<10112x128xf32, #tpu.memory_space<vmem_shared>>
        tpu.enqueue_indirect_dma source(%arg10 : memref<128x128xf32, #tpu.memory_space<vmem>>) target(%dma_start3A_76 : memref<10112x128xf32, #tpu.memory_space<vmem_shared>>) offsets(%dma_start3A_73 : memref<128xi32, #tpu.memory_space<vmem>>) semaphore(%run_scoped3A : memref<!tpu.dma_semaphore, #tpu.memory_space<semaphore_mem>>) {add = true}
        %dma_wait3A_77 = arith.constant 0 : i32
        %dma_wait3A_78 = tpu.memref_slice %arg8[%add3A_57, %dma_wait3A_77] : memref<40x128xi32, #tpu.memory_space<vmem>> -> memref<1x128xi32, #tpu.memory_space<vmem>>
        %dma_wait3A_79 = tpu.memref_squeeze %dma_wait3A_78 : memref<1x128xi32, #tpu.memory_space<vmem>> -> memref<128xi32, #tpu.memory_space<vmem>>
        %dma_wait3A_80 = arith.constant 0 : i32
        %dma_wait3A_81 = arith.constant 0 : i32
        %dma_wait3A_82 = tpu.memref_slice %arg11[%dma_wait3A_80, %dma_wait3A_81] : memref<10112x128xf32, #tpu.memory_space<vmem_shared>> -> memref<10112x128xf32, #tpu.memory_space<vmem_shared>>
        tpu.wait_indirect_dma semaphore(%run_scoped3A : memref<!tpu.dma_semaphore, #tpu.memory_space<semaphore_mem>>) src(%arg10 : memref<128x128xf32, #tpu.memory_space<vmem>>) dst(%dma_wait3A_82 : memref<10112x128xf32, #tpu.memory_space<vmem_shared>>)
        tpu.yield
      }) : () -> ()
    }
    %scan3A_17 = arith.constant 20 : i32
    %mul3A_18 = arith.constant 80 : i32
    %mul3A_19 = arith.muli %add3A, %mul3A_18 : i32
    %add3A_20 = arith.constant 40 : i32
    %add3A_21 = arith.addi %mul3A_19, %add3A_20 : i32
    "tpu.region"() ({
      %run_scoped3A = tpu.sem_alloc : memref<!tpu.dma_semaphore, #tpu.memory_space<semaphore_mem>>
      %dma_start3A_40 = arith.constant 0 : i32
      %dma_start3A_41 = tpu.memref_slice %arg3[%add3A_21, %dma_start3A_40] : memref<2560x128xi32, #tpu.memory_space<hbm>> -> memref<40x128xi32, #tpu.memory_space<hbm>>
      %dma_start3A_42 = arith.constant 0 : i32
      %dma_start3A_43 = tpu.memref_slice %arg3[%add3A_21, %dma_start3A_42] : memref<2560x128xi32, #tpu.memory_space<hbm>> -> memref<40x128xi32, #tpu.memory_space<hbm>>
      tpu.enqueue_dma source(%dma_start3A_43 : memref<40x128xi32, #tpu.memory_space<hbm>>) target(%arg7 : memref<40x128xi32, #tpu.memory_space<vmem>>) target_semaphore(%run_scoped3A : memref<!tpu.dma_semaphore, #tpu.memory_space<semaphore_mem>>)
      %dma_wait3A = arith.constant 0 : i32
      %dma_wait3A_44 = tpu.memref_slice %arg3[%add3A_21, %dma_wait3A] : memref<2560x128xi32, #tpu.memory_space<hbm>> -> memref<40x128xi32, #tpu.memory_space<hbm>>
      %dma_wait3A_45 = arith.constant 0 : i32
      %dma_wait3A_46 = tpu.memref_slice %arg3[%add3A_21, %dma_wait3A_45] : memref<2560x128xi32, #tpu.memory_space<hbm>> -> memref<40x128xi32, #tpu.memory_space<hbm>>
      tpu.wait_dma2 semaphore(%run_scoped3A : memref<!tpu.dma_semaphore, #tpu.memory_space<semaphore_mem>>) src(%dma_wait3A_46 : memref<40x128xi32, #tpu.memory_space<hbm>>) dst(%arg7 : memref<40x128xi32, #tpu.memory_space<vmem>>)
      tpu.yield
    }) : () -> ()
    "tpu.region"() ({
      %run_scoped3A = tpu.sem_alloc : memref<!tpu.dma_semaphore, #tpu.memory_space<semaphore_mem>>
      %dma_start3A_40 = arith.constant 0 : i32
      %dma_start3A_41 = tpu.memref_slice %arg4[%add3A_21, %dma_start3A_40] : memref<2560x128xi32, #tpu.memory_space<hbm>> -> memref<40x128xi32, #tpu.memory_space<hbm>>
      %dma_start3A_42 = arith.constant 0 : i32
      %dma_start3A_43 = tpu.memref_slice %arg4[%add3A_21, %dma_start3A_42] : memref<2560x128xi32, #tpu.memory_space<hbm>> -> memref<40x128xi32, #tpu.memory_space<hbm>>
      tpu.enqueue_dma source(%dma_start3A_43 : memref<40x128xi32, #tpu.memory_space<hbm>>) target(%arg8 : memref<40x128xi32, #tpu.memory_space<vmem>>) target_semaphore(%run_scoped3A : memref<!tpu.dma_semaphore, #tpu.memory_space<semaphore_mem>>)
      %dma_wait3A = arith.constant 0 : i32
      %dma_wait3A_44 = tpu.memref_slice %arg4[%add3A_21, %dma_wait3A] : memref<2560x128xi32, #tpu.memory_space<hbm>> -> memref<40x128xi32, #tpu.memory_space<hbm>>
      %dma_wait3A_45 = arith.constant 0 : i32
      %dma_wait3A_46 = tpu.memref_slice %arg4[%add3A_21, %dma_wait3A_45] : memref<2560x128xi32, #tpu.memory_space<hbm>> -> memref<40x128xi32, #tpu.memory_space<hbm>>
      tpu.wait_dma2 semaphore(%run_scoped3A : memref<!tpu.dma_semaphore, #tpu.memory_space<semaphore_mem>>) src(%dma_wait3A_46 : memref<40x128xi32, #tpu.memory_space<hbm>>) dst(%arg8 : memref<40x128xi32, #tpu.memory_space<vmem>>)
      tpu.yield
    }) : () -> ()
    %dma_start3A_22 = arith.constant 0 : i32
    %dma_start3A_23 = arith.constant 0 : i32
    %dma_start3A_24 = tpu.memref_slice %arg7[%dma_start3A_22, %dma_start3A_23] : memref<40x128xi32, #tpu.memory_space<vmem>> -> memref<1x128xi32, #tpu.memory_space<vmem>>
    %dma_start3A_25 = tpu.memref_squeeze %dma_start3A_24 : memref<1x128xi32, #tpu.memory_space<vmem>> -> memref<128xi32, #tpu.memory_space<vmem>>
    %dma_start3A_26 = arith.constant 0 : i32
    %dma_start3A_27 = arith.constant 0 : i32
    %dma_start3A_28 = tpu.memref_slice %arg2[%dma_start3A_26, %dma_start3A_27] : memref<10000x128xf32, #tpu.memory_space<hbm>> -> memref<10000x128xf32, #tpu.memory_space<hbm>>
    tpu.enqueue_indirect_dma source(%dma_start3A_28 : memref<10000x128xf32, #tpu.memory_space<hbm>>) target(%arg9 : memref<128x128xf32, #tpu.memory_space<vmem>>) offsets(%dma_start3A_25 : memref<128xi32, #tpu.memory_space<vmem>>) semaphore(%arg12 : memref<!tpu.dma_semaphore, #tpu.memory_space<semaphore_mem>>)
    %scan3A_29 = arith.constant 0 : i32
    %scan3A_30 = arith.constant 0 : i32
    %scan3A_31 = arith.constant 20 : i32
    %scan3A_32 = arith.addi %scan3A_30, %scan3A_31 : i32
    %scan3A_33 = arith.constant 1 : i32
    scf.for %scan3A_40 = %scan3A_30 to %scan3A_32 step %scan3A_33  : i32 {
      %mul3A_41 = arith.constant 2 : i32
      %mul3A_42 = arith.muli %mul3A_41, %scan3A_40 : i32
      %add3A_43 = arith.constant 0 : i32
      %add3A_44 = arith.addi %mul3A_42, %add3A_43 : i32
      %dma_wait3A = arith.constant 0 : i32
      %dma_wait3A_45 = tpu.memref_slice %arg7[%add3A_44, %dma_wait3A] : memref<40x128xi32, #tpu.memory_space<vmem>> -> memref<1x128xi32, #tpu.memory_space<vmem>>
      %dma_wait3A_46 = tpu.memref_squeeze %dma_wait3A_45 : memref<1x128xi32, #tpu.memory_space<vmem>> -> memref<128xi32, #tpu.memory_space<vmem>>
      %dma_wait3A_47 = arith.constant 0 : i32
      %dma_wait3A_48 = arith.constant 0 : i32
      %dma_wait3A_49 = tpu.memref_slice %arg2[%dma_wait3A_47, %dma_wait3A_48] : memref<10000x128xf32, #tpu.memory_space<hbm>> -> memref<10000x128xf32, #tpu.memory_space<hbm>>
      tpu.wait_indirect_dma semaphore(%arg12 : memref<!tpu.dma_semaphore, #tpu.memory_space<semaphore_mem>>) src(%dma_wait3A_49 : memref<10000x128xf32, #tpu.memory_space<hbm>>) dst(%arg9 : memref<128x128xf32, #tpu.memory_space<vmem>>)
      %add3A_50 = arith.constant 1 : i32
      %add3A_51 = arith.addi %add3A_44, %add3A_50 : i32
      %lt3A = arith.constant 40 : i32
      %lt3A_52 = arith.cmpi slt, %add3A_51, %lt3A : i32
      %convert_element_type3A = arith.extui %lt3A_52 : i1 to i32
      %cond3A = arith.constant 0 : i32
      %cond3A_53 = arith.cmpi ne, %convert_element_type3A, %cond3A : i32
      scf.if %cond3A_53 {
        %add3A_71 = arith.constant 1 : i32
        %add3A_72 = arith.addi %add3A_44, %add3A_71 : i32
        %dma_start3A_73 = arith.constant 0 : i32
        %dma_start3A_74 = tpu.memref_slice %arg7[%add3A_72, %dma_start3A_73] : memref<40x128xi32, #tpu.memory_space<vmem>> -> memref<1x128xi32, #tpu.memory_space<vmem>>
        %dma_start3A_75 = tpu.memref_squeeze %dma_start3A_74 : memref<1x128xi32, #tpu.memory_space<vmem>> -> memref<128xi32, #tpu.memory_space<vmem>>
        %dma_start3A_76 = arith.constant 0 : i32
        %dma_start3A_77 = arith.constant 0 : i32
        %dma_start3A_78 = tpu.memref_slice %arg2[%dma_start3A_76, %dma_start3A_77] : memref<10000x128xf32, #tpu.memory_space<hbm>> -> memref<10000x128xf32, #tpu.memory_space<hbm>>
        tpu.enqueue_indirect_dma source(%dma_start3A_78 : memref<10000x128xf32, #tpu.memory_space<hbm>>) target(%arg10 : memref<128x128xf32, #tpu.memory_space<vmem>>) offsets(%dma_start3A_75 : memref<128xi32, #tpu.memory_space<vmem>>) semaphore(%arg13 : memref<!tpu.dma_semaphore, #tpu.memory_space<semaphore_mem>>)
      } else {
      }
      "tpu.region"() ({
        %run_scoped3A = tpu.sem_alloc : memref<!tpu.dma_semaphore, #tpu.memory_space<semaphore_mem>>
        %dma_start3A_71 = arith.constant 0 : i32
        %dma_start3A_72 = tpu.memref_slice %arg8[%add3A_44, %dma_start3A_71] : memref<40x128xi32, #tpu.memory_space<vmem>> -> memref<1x128xi32, #tpu.memory_space<vmem>>
        %dma_start3A_73 = tpu.memref_squeeze %dma_start3A_72 : memref<1x128xi32, #tpu.memory_space<vmem>> -> memref<128xi32, #tpu.memory_space<vmem>>
        %dma_start3A_74 = arith.constant 0 : i32
        %dma_start3A_75 = arith.constant 0 : i32
        %dma_start3A_76 = tpu.memref_slice %arg11[%dma_start3A_74, %dma_start3A_75] : memref<10112x128xf32, #tpu.memory_space<vmem_shared>> -> memref<10112x128xf32, #tpu.memory_space<vmem_shared>>
        tpu.enqueue_indirect_dma source(%arg9 : memref<128x128xf32, #tpu.memory_space<vmem>>) target(%dma_start3A_76 : memref<10112x128xf32, #tpu.memory_space<vmem_shared>>) offsets(%dma_start3A_73 : memref<128xi32, #tpu.memory_space<vmem>>) semaphore(%run_scoped3A : memref<!tpu.dma_semaphore, #tpu.memory_space<semaphore_mem>>) {add = true}
        %dma_wait3A_77 = arith.constant 0 : i32
        %dma_wait3A_78 = tpu.memref_slice %arg8[%add3A_44, %dma_wait3A_77] : memref<40x128xi32, #tpu.memory_space<vmem>> -> memref<1x128xi32, #tpu.memory_space<vmem>>
        %dma_wait3A_79 = tpu.memref_squeeze %dma_wait3A_78 : memref<1x128xi32, #tpu.memory_space<vmem>> -> memref<128xi32, #tpu.memory_space<vmem>>
        %dma_wait3A_80 = arith.constant 0 : i32
        %dma_wait3A_81 = arith.constant 0 : i32
        %dma_wait3A_82 = tpu.memref_slice %arg11[%dma_wait3A_80, %dma_wait3A_81] : memref<10112x128xf32, #tpu.memory_space<vmem_shared>> -> memref<10112x128xf32, #tpu.memory_space<vmem_shared>>
        tpu.wait_indirect_dma semaphore(%run_scoped3A : memref<!tpu.dma_semaphore, #tpu.memory_space<semaphore_mem>>) src(%arg9 : memref<128x128xf32, #tpu.memory_space<vmem>>) dst(%dma_wait3A_82 : memref<10112x128xf32, #tpu.memory_space<vmem_shared>>)
        tpu.yield
      }) : () -> ()
      %mul3A_54 = arith.constant 2 : i32
      %mul3A_55 = arith.muli %mul3A_54, %scan3A_40 : i32
      %add3A_56 = arith.constant 1 : i32
      %add3A_57 = arith.addi %mul3A_55, %add3A_56 : i32
      %dma_wait3A_58 = arith.constant 0 : i32
      %dma_wait3A_59 = tpu.memref_slice %arg7[%add3A_57, %dma_wait3A_58] : memref<40x128xi32, #tpu.memory_space<vmem>> -> memref<1x128xi32, #tpu.memory_space<vmem>>
      %dma_wait3A_60 = tpu.memref_squeeze %dma_wait3A_59 : memref<1x128xi32, #tpu.memory_space<vmem>> -> memref<128xi32, #tpu.memory_space<vmem>>
      %dma_wait3A_61 = arith.constant 0 : i32
      %dma_wait3A_62 = arith.constant 0 : i32
      %dma_wait3A_63 = tpu.memref_slice %arg2[%dma_wait3A_61, %dma_wait3A_62] : memref<10000x128xf32, #tpu.memory_space<hbm>> -> memref<10000x128xf32, #tpu.memory_space<hbm>>
      tpu.wait_indirect_dma semaphore(%arg13 : memref<!tpu.dma_semaphore, #tpu.memory_space<semaphore_mem>>) src(%dma_wait3A_63 : memref<10000x128xf32, #tpu.memory_space<hbm>>) dst(%arg10 : memref<128x128xf32, #tpu.memory_space<vmem>>)
      %add3A_64 = arith.constant 1 : i32
      %add3A_65 = arith.addi %add3A_57, %add3A_64 : i32
      %lt3A_66 = arith.constant 40 : i32
      %lt3A_67 = arith.cmpi slt, %add3A_65, %lt3A_66 : i32
      %convert_element_type3A_68 = arith.extui %lt3A_67 : i1 to i32
      %cond3A_69 = arith.constant 0 : i32
      %cond3A_70 = arith.cmpi ne, %convert_element_type3A_68, %cond3A_69 : i32
      scf.if %cond3A_70 {
        %add3A_71 = arith.constant 1 : i32
        %add3A_72 = arith.addi %add3A_57, %add3A_71 : i32
        %dma_start3A_73 = arith.constant 0 : i32
        %dma_start3A_74 = tpu.memref_slice %arg7[%add3A_72, %dma_start3A_73] : memref<40x128xi32, #tpu.memory_space<vmem>> -> memref<1x128xi32, #tpu.memory_space<vmem>>
        %dma_start3A_75 = tpu.memref_squeeze %dma_start3A_74 : memref<1x128xi32, #tpu.memory_space<vmem>> -> memref<128xi32, #tpu.memory_space<vmem>>
        %dma_start3A_76 = arith.constant 0 : i32
        %dma_start3A_77 = arith.constant 0 : i32
        %dma_start3A_78 = tpu.memref_slice %arg2[%dma_start3A_76, %dma_start3A_77] : memref<10000x128xf32, #tpu.memory_space<hbm>> -> memref<10000x128xf32, #tpu.memory_space<hbm>>
        tpu.enqueue_indirect_dma source(%dma_start3A_78 : memref<10000x128xf32, #tpu.memory_space<hbm>>) target(%arg9 : memref<128x128xf32, #tpu.memory_space<vmem>>) offsets(%dma_start3A_75 : memref<128xi32, #tpu.memory_space<vmem>>) semaphore(%arg12 : memref<!tpu.dma_semaphore, #tpu.memory_space<semaphore_mem>>)
      } else {
      }
      "tpu.region"() ({
        %run_scoped3A = tpu.sem_alloc : memref<!tpu.dma_semaphore, #tpu.memory_space<semaphore_mem>>
        %dma_start3A_71 = arith.constant 0 : i32
        %dma_start3A_72 = tpu.memref_slice %arg8[%add3A_57, %dma_start3A_71] : memref<40x128xi32, #tpu.memory_space<vmem>> -> memref<1x128xi32, #tpu.memory_space<vmem>>
        %dma_start3A_73 = tpu.memref_squeeze %dma_start3A_72 : memref<1x128xi32, #tpu.memory_space<vmem>> -> memref<128xi32, #tpu.memory_space<vmem>>
        %dma_start3A_74 = arith.constant 0 : i32
        %dma_start3A_75 = arith.constant 0 : i32
        %dma_start3A_76 = tpu.memref_slice %arg11[%dma_start3A_74, %dma_start3A_75] : memref<10112x128xf32, #tpu.memory_space<vmem_shared>> -> memref<10112x128xf32, #tpu.memory_space<vmem_shared>>
        tpu.enqueue_indirect_dma source(%arg10 : memref<128x128xf32, #tpu.memory_space<vmem>>) target(%dma_start3A_76 : memref<10112x128xf32, #tpu.memory_space<vmem_shared>>) offsets(%dma_start3A_73 : memref<128xi32, #tpu.memory_space<vmem>>) semaphore(%run_scoped3A : memref<!tpu.dma_semaphore, #tpu.memory_space<semaphore_mem>>) {add = true}
        %dma_wait3A_77 = arith.constant 0 : i32
        %dma_wait3A_78 = tpu.memref_slice %arg8[%add3A_57, %dma_wait3A_77] : memref<40x128xi32, #tpu.memory_space<vmem>> -> memref<1x128xi32, #tpu.memory_space<vmem>>
        %dma_wait3A_79 = tpu.memref_squeeze %dma_wait3A_78 : memref<1x128xi32, #tpu.memory_space<vmem>> -> memref<128xi32, #tpu.memory_space<vmem>>
        %dma_wait3A_80 = arith.constant 0 : i32
        %dma_wait3A_81 = arith.constant 0 : i32
        %dma_wait3A_82 = tpu.memref_slice %arg11[%dma_wait3A_80, %dma_wait3A_81] : memref<10112x128xf32, #tpu.memory_space<vmem_shared>> -> memref<10112x128xf32, #tpu.memory_space<vmem_shared>>
        tpu.wait_indirect_dma semaphore(%run_scoped3A : memref<!tpu.dma_semaphore, #tpu.memory_space<semaphore_mem>>) src(%arg10 : memref<128x128xf32, #tpu.memory_space<vmem>>) dst(%dma_wait3A_82 : memref<10112x128xf32, #tpu.memory_space<vmem_shared>>)
        tpu.yield
      }) : () -> ()
    }
    %scan3A_34 = arith.constant 20 : i32
    %barrier3A_35 = arith.constant 0 : index
    tpu.barrier barrier_id(%barrier3A_35)
    %mul3A_36 = arith.constant 632 : i32
    %mul3A_37 = arith.muli %arg1, %mul3A_36 : i32
    %mul3A_38 = arith.constant 632 : i32
    %mul3A_39 = arith.muli %arg1, %mul3A_38 : i32
    "tpu.region"() ({
      %run_scoped3A = tpu.sem_alloc : memref<!tpu.dma_semaphore, #tpu.memory_space<semaphore_mem>>
      %dma_start3A_40 = arith.constant 0 : i32
      %dma_start3A_41 = tpu.memref_slice %arg6[%arg0, %mul3A_39, %dma_start3A_40] : memref<2x10112x128xf32, #tpu.memory_space<hbm>> -> memref<1x632x128xf32, #tpu.memory_space<hbm>>
      %dma_start3A_42 = tpu.memref_squeeze %dma_start3A_41 : memref<1x632x128xf32, #tpu.memory_space<hbm>> -> memref<632x128xf32, #tpu.memory_space<hbm>>
      %dma_start3A_43 = arith.constant 0 : i32
      %dma_start3A_44 = tpu.memref_slice %arg11[%mul3A_37, %dma_start3A_43] : memref<10112x128xf32, #tpu.memory_space<vmem_shared>> -> memref<632x128xf32, #tpu.memory_space<vmem_shared>>
      tpu.enqueue_dma source(%dma_start3A_44 : memref<632x128xf32, #tpu.memory_space<vmem_shared>>) target(%dma_start3A_42 : memref<632x128xf32, #tpu.memory_space<hbm>>) target_semaphore(%run_scoped3A : memref<!tpu.dma_semaphore, #tpu.memory_space<semaphore_mem>>)
      %dma_wait3A = arith.constant 0 : i32
      %dma_wait3A_45 = tpu.memref_slice %arg6[%arg0, %mul3A_39, %dma_wait3A] : memref<2x10112x128xf32, #tpu.memory_space<hbm>> -> memref<1x632x128xf32, #tpu.memory_space<hbm>>
      %dma_wait3A_46 = tpu.memref_squeeze %dma_wait3A_45 : memref<1x632x128xf32, #tpu.memory_space<hbm>> -> memref<632x128xf32, #tpu.memory_space<hbm>>
      %dma_wait3A_47 = arith.constant 0 : i32
      %dma_wait3A_48 = tpu.memref_slice %arg11[%mul3A_37, %dma_wait3A_47] : memref<10112x128xf32, #tpu.memory_space<vmem_shared>> -> memref<632x128xf32, #tpu.memory_space<vmem_shared>>
      tpu.wait_dma2 semaphore(%run_scoped3A : memref<!tpu.dma_semaphore, #tpu.memory_space<semaphore_mem>>) src(%dma_wait3A_48 : memref<632x128xf32, #tpu.memory_space<vmem_shared>>) dst(%dma_wait3A_46 : memref<632x128xf32, #tpu.memory_space<hbm>>)
      tpu.yield
    }) : () -> ()
    return
  }
}

module attributes {stable_mosaic.version = 14 : i64} {
  func.func @_mm_body(%arg0: i32, %arg1: memref<1000x128xf32, #tpu.memory_space<vmem>>, %arg2: memref<128x128xf32, #tpu.memory_space<vmem>>, %arg3: memref<1000x128xf32, #tpu.memory_space<vmem>>) attributes {dimension_semantics = [#tpu.dimension_semantics<arbitrary>], iteration_bounds = array<i64: 10>, scalar_prefetch = 0 : i64, scratch_operands = 0 : i64, tpu.core_type = #tpu.core_type<tc>, window_params = [{transform_indices = @transform_0, window_bounds = array<i64: 1000, 128>}, {pipeline_mode = #tpu.pipeline_mode<synchronous>, transform_indices = @transform_1, window_bounds = array<i64: 128, 128>}, {transform_indices = @transform_2, window_bounds = array<i64: 1000, 128>}]} {
    %get3A = arith.constant 0 : index
    %get3A_0 = arith.constant 0 : index
    %get3A_1 = vector.load %arg1[%get3A, %get3A_0] : memref<1000x128xf32, #tpu.memory_space<vmem>>, vector<1000x128xf32>
    %get3A_2 = arith.constant 0 : index
    %get3A_3 = arith.constant 0 : index
    %get3A_4 = vector.load %arg2[%get3A_2, %get3A_3] : memref<128x128xf32, #tpu.memory_space<vmem>>, vector<128x128xf32>
    %dot_general3A = arith.constant dense<0.000000e+00> : vector<1000x128xf32>
    %dot_general3A_5 = tpu.matmul %get3A_1, %get3A_4, %dot_general3A {dimension_numbers = #tpu.dot_dimension_numbers<[1], [0], [0], [1], [0, 0, 1, 1], [], []>, transpose_lhs_hint = false} : vector<1000x128xf32>, vector<128x128xf32>, vector<1000x128xf32> -> vector<1000x128xf32>
    %swap3A = arith.constant 0 : index
    %swap3A_6 = arith.constant 0 : index
    %swap3A_7 = vector.load %arg3[%swap3A, %swap3A_6] : memref<1000x128xf32, #tpu.memory_space<vmem>>, vector<1000x128xf32>
    tpu.vector_store %arg3[%swap3A, %swap3A_6], %dot_general3A_5 {strides = array<i32>} : memref<1000x128xf32, #tpu.memory_space<vmem>>, vector<1000x128xf32>,
    return
  }
  func.func @transform_0(%arg0: i32) -> (i32, i32) {
    %c0_i32 = arith.constant 0 : i32
    %c0_i32_0 = arith.constant 0 : i32
    return %arg0, %c0_i32 : i32, i32
  }
  func.func @transform_1(%arg0: i32) -> (i32, i32) {
    %c0_i32 = arith.constant 0 : i32
    %c0_i32_0 = arith.constant 0 : i32
    %c0_i32_1 = arith.constant 0 : i32
    return %c0_i32, %c0_i32_0 : i32, i32
  }
  func.func @transform_2(%arg0: i32) -> (i32, i32) {
    %c0_i32 = arith.constant 0 : i32
    %c0_i32_0 = arith.constant 0 : i32
    return %arg0, %c0_i32 : i32, i32
  }
}

module attributes {stable_mosaic.version = 14 : i64} {
  func.func @_scale_body(%arg0: i32, %arg1: memref<1000x128xf32, #tpu.memory_space<vmem>>, %arg2: memref<1000x1xf32, #tpu.memory_space<vmem>>, %arg3: memref<1000x1xf32, #tpu.memory_space<vmem>>, %arg4: memref<1000x128xf32, #tpu.memory_space<vmem>>) attributes {dimension_semantics = [#tpu.dimension_semantics<arbitrary>], iteration_bounds = array<i64: 10>, scalar_prefetch = 0 : i64, scratch_operands = 0 : i64, tpu.core_type = #tpu.core_type<tc>, window_params = [{transform_indices = @transform_0, window_bounds = array<i64: 1000, 128>}, {transform_indices = @transform_1, window_bounds = array<i64: 1000, 1>}, {transform_indices = @transform_2, window_bounds = array<i64: 1000, 1>}, {transform_indices = @transform_3, window_bounds = array<i64: 1000, 128>}]} {
    %get3A = arith.constant 0 : index
    %get3A_0 = arith.constant 0 : index
    %get3A_1 = vector.load %arg2[%get3A, %get3A_0] : memref<1000x1xf32, #tpu.memory_space<vmem>>, vector<1000x1xf32>
    %get3A_2 = arith.constant 0 : index
    %get3A_3 = arith.constant 0 : index
    %get3A_4 = vector.load %arg3[%get3A_2, %get3A_3] : memref<1000x1xf32, #tpu.memory_space<vmem>>, vector<1000x1xf32>
    %add3A = arith.addf %get3A_1, %get3A_4 : vector<1000x1xf32>
    %add3A_5 = arith.constant 1.000000e+00 : f32
    %add3A_6 = vector.broadcast %add3A_5 : f32 to vector<1000x1xf32>
    %add3A_7 = arith.addf %add3A, %add3A_6 : vector<1000x1xf32>
    %get3A_8 = arith.constant 0 : index
    %get3A_9 = arith.constant 0 : index
    %get3A_10 = vector.load %arg1[%get3A_8, %get3A_9] : memref<1000x128xf32, #tpu.memory_space<vmem>>, vector<1000x128xf32>
    %rsqrt3A = math.rsqrt %add3A_7 : vector<1000x1xf32>
    %mul3A = vector.broadcast %rsqrt3A : vector<1000x1xf32> to vector<1000x128xf32>
    %mul3A_11 = arith.mulf %get3A_10, %mul3A : vector<1000x128xf32>
    %swap3A = arith.constant 0 : index
    %swap3A_12 = arith.constant 0 : index
    %swap3A_13 = vector.load %arg4[%swap3A, %swap3A_12] : memref<1000x128xf32, #tpu.memory_space<vmem>>, vector<1000x128xf32>
    tpu.vector_store %arg4[%swap3A, %swap3A_12], %mul3A_11 {strides = array<i32>} : memref<1000x128xf32, #tpu.memory_space<vmem>>, vector<1000x128xf32>,
    return
  }
  func.func @transform_0(%arg0: i32) -> (i32, i32) {
    %c0_i32 = arith.constant 0 : i32
    %c0_i32_0 = arith.constant 0 : i32
    return %arg0, %c0_i32 : i32, i32
  }
  func.func @transform_1(%arg0: i32) -> (i32, i32) {
    %c0_i32 = arith.constant 0 : i32
    %c0_i32_0 = arith.constant 0 : i32
    return %arg0, %c0_i32 : i32, i32
  }
  func.func @transform_2(%arg0: i32) -> (i32, i32) {
    %c0_i32 = arith.constant 0 : i32
    %c0_i32_0 = arith.constant 0 : i32
    return %arg0, %c0_i32 : i32, i32
  }
  func.func @transform_3(%arg0: i32) -> (i32, i32) {
    %c0_i32 = arith.constant 0 : i32
    %c0_i32_0 = arith.constant 0 : i32
    return %arg0, %c0_i32 : i32, i32
  }
}

module attributes {stable_mosaic.version = 14 : i64} {
  func.func @_head_body(%arg0: i32, %arg1: memref<1000x128xf32, #tpu.memory_space<vmem>>, %arg2: memref<1000x128xf32, #tpu.memory_space<vmem>>, %arg3: memref<1000x128xf32, #tpu.memory_space<vmem>>, %arg4: memref<1000x1xf32, #tpu.memory_space<vmem>>, %arg5: memref<1000x1xf32, #tpu.memory_space<vmem>>, %arg6: memref<1000x1xf32, #tpu.memory_space<vmem>>, %arg7: memref<1x128xf32, #tpu.memory_space<vmem>>, %arg8: memref<128x10xf32, #tpu.memory_space<vmem>>, %arg9: memref<1x10xf32, #tpu.memory_space<vmem>>, %arg10: memref<128x10xf32, #tpu.memory_space<vmem>>, %arg11: memref<128x128xf32, #tpu.memory_space<vmem>>, %arg12: memref<1x128xf32, #tpu.memory_space<vmem>>) attributes {dimension_semantics = [#tpu.dimension_semantics<arbitrary>], iteration_bounds = array<i64: 10>, scalar_prefetch = 0 : i64, scratch_operands = 2 : i64, tpu.core_type = #tpu.core_type<tc>, window_params = [{transform_indices = @transform_0, window_bounds = array<i64: 1000, 128>}, {transform_indices = @transform_1, window_bounds = array<i64: 1000, 128>}, {transform_indices = @transform_2, window_bounds = array<i64: 1000, 128>}, {transform_indices = @transform_3, window_bounds = array<i64: 1000, 1>}, {transform_indices = @transform_4, window_bounds = array<i64: 1000, 1>}, {transform_indices = @transform_5, window_bounds = array<i64: 1000, 1>}, {pipeline_mode = #tpu.pipeline_mode<synchronous>, transform_indices = @transform_6, window_bounds = array<i64: 1, 128>}, {pipeline_mode = #tpu.pipeline_mode<synchronous>, transform_indices = @transform_7, window_bounds = array<i64: 128, 10>}, {pipeline_mode = #tpu.pipeline_mode<synchronous>, transform_indices = @transform_8, window_bounds = array<i64: 1, 10>}, {pipeline_mode = #tpu.pipeline_mode<synchronous>, transform_indices = @transform_9, window_bounds = array<i64: 128, 10>}]} {
    %eq3A = arith.constant 0 : i32
    %eq3A_0 = arith.cmpi eq, %arg0, %eq3A : i32
    %convert_element_type3A = arith.extui %eq3A_0 : i1 to i32
    %cond3A = arith.constant 0 : i32
    %cond3A_1 = arith.cmpi ne, %convert_element_type3A, %cond3A : i32
    scf.if %cond3A_1 {
      %broadcast_in_dim3A_58 = arith.constant 0.000000e+00 : f32
      %broadcast_in_dim3A_59 = vector.broadcast %broadcast_in_dim3A_58 : f32 to vector<128x128xf32>
      %swap3A_60 = arith.constant 0 : index
      %swap3A_61 = arith.constant 0 : index
      %swap3A_62 = vector.load %arg11[%swap3A_60, %swap3A_61] : memref<128x128xf32, #tpu.memory_space<vmem>>, vector<128x128xf32>
      tpu.vector_store %arg11[%swap3A_60, %swap3A_61], %broadcast_in_dim3A_59 {strides = array<i32>} : memref<128x128xf32, #tpu.memory_space<vmem>>, vector<128x128xf32>,
      %broadcast_in_dim3A_63 = arith.constant 0.000000e+00 : f32
      %broadcast_in_dim3A_64 = vector.broadcast %broadcast_in_dim3A_63 : f32 to vector<1x128xf32>
      %swap3A_65 = arith.constant 0 : index
      %swap3A_66 = arith.constant 0 : index
      %swap3A_67 = vector.load %arg12[%swap3A_65, %swap3A_66] : memref<1x128xf32, #tpu.memory_space<vmem>>, vector<1x128xf32>
      tpu.vector_store %arg12[%swap3A_65, %swap3A_66], %broadcast_in_dim3A_64 {strides = array<i32>} : memref<1x128xf32, #tpu.memory_space<vmem>>, vector<1x128xf32>,
    } else {
    }
    %get3A = arith.constant 0 : index
    %get3A_2 = arith.constant 0 : index
    %get3A_3 = vector.load %arg4[%get3A, %get3A_2] : memref<1000x1xf32, #tpu.memory_space<vmem>>, vector<1000x1xf32>
    %get3A_4 = arith.constant 0 : index
    %get3A_5 = arith.constant 0 : index
    %get3A_6 = vector.load %arg5[%get3A_4, %get3A_5] : memref<1000x1xf32, #tpu.memory_space<vmem>>, vector<1000x1xf32>
    %add3A = arith.addf %get3A_3, %get3A_6 : vector<1000x1xf32>
    %add3A_7 = arith.constant 1.000000e+00 : f32
    %add3A_8 = vector.broadcast %add3A_7 : f32 to vector<1000x1xf32>
    %add3A_9 = arith.addf %add3A, %add3A_8 : vector<1000x1xf32>
    %rsqrt3A = math.rsqrt %add3A_9 : vector<1000x1xf32>
    %get3A_10 = arith.constant 0 : index
    %get3A_11 = arith.constant 0 : index
    %get3A_12 = vector.load %arg1[%get3A_10, %get3A_11] : memref<1000x128xf32, #tpu.memory_space<vmem>>, vector<1000x128xf32>
    %get3A_13 = arith.constant 0 : index
    %get3A_14 = arith.constant 0 : index
    %get3A_15 = vector.load %arg2[%get3A_13, %get3A_14] : memref<1000x128xf32, #tpu.memory_space<vmem>>, vector<1000x128xf32>
    %add3A_16 = arith.addf %get3A_12, %get3A_15 : vector<1000x128xf32>
    %get3A_17 = arith.constant 0 : index
    %get3A_18 = arith.constant 0 : index
    %get3A_19 = vector.load %arg3[%get3A_17, %get3A_18] : memref<1000x128xf32, #tpu.memory_space<vmem>>, vector<1000x128xf32>
    %add3A_20 = arith.addf %add3A_16, %get3A_19 : vector<1000x128xf32>
    %mul3A = vector.broadcast %rsqrt3A : vector<1000x1xf32> to vector<1000x128xf32>
    %mul3A_21 = arith.mulf %mul3A, %add3A_20 : vector<1000x128xf32>
    %get3A_22 = arith.constant 0 : index
    %get3A_23 = arith.constant 0 : index
    %get3A_24 = vector.load %arg7[%get3A_22, %get3A_23] : memref<1x128xf32, #tpu.memory_space<vmem>>, vector<1x128xf32>
    %add3A_25 = vector.broadcast %get3A_24 : vector<1x128xf32> to vector<1000x128xf32>
    %add3A_26 = arith.addf %mul3A_21, %add3A_25 : vector<1000x128xf32>
    %max3A = arith.constant 0.000000e+00 : f32
    %max3A_27 = vector.broadcast %max3A : f32 to vector<1000x128xf32>
    %max3A_28 = arith.maximumf %add3A_26, %max3A_27 : vector<1000x128xf32>
    %iota3A = tpu.iota {dimensions = array<i32: 1>} : vector<1x128xi32>
    %convert_element_type3A_29 = arith.sitofp %iota3A : vector<1x128xi32> to vector<1x128xf32>
    %get3A_30 = arith.constant 0 : index
    %get3A_31 = arith.constant 0 : index
    %get3A_32 = vector.load %arg6[%get3A_30, %get3A_31] : memref<1000x1xf32, #tpu.memory_space<vmem>>, vector<1000x1xf32>
    %eq3A_33 = vector.broadcast %get3A_32 : vector<1000x1xf32> to vector<1000x128xf32>
    %eq3A_34 = vector.broadcast %convert_element_type3A_29 : vector<1x128xf32> to vector<1000x128xf32>
    %eq3A_35 = arith.cmpf oeq, %eq3A_33, %eq3A_34 : vector<1000x128xf32>
    %convert_element_type3A_36 = arith.extui %eq3A_35 : vector<1000x128xi1> to vector<1000x128xi32>
    %convert_element_type3A_37 = arith.sitofp %convert_element_type3A_36 : vector<1000x128xi32> to vector<1000x128xf32>
    %get3A_38 = arith.constant 0 : index
    %get3A_39 = arith.constant 0 : index
    %get3A_40 = vector.load %arg11[%get3A_38, %get3A_39] : memref<128x128xf32, #tpu.memory_space<vmem>>, vector<128x128xf32>
    %transpose3A = tpu.transpose %convert_element_type3A_37, [1, 0] : vector<1000x128xf32> -> vector<128x1000xf32>
    %dot_general3A = arith.constant dense<0.000000e+00> : vector<128x128xf32>
    %dot_general3A_41 = tpu.matmul %transpose3A, %max3A_28, %dot_general3A {dimension_numbers = #tpu.dot_dimension_numbers<[1], [0], [0], [1], [0, 0, 1, 1], [], []>, transpose_lhs_hint = false} : vector<128x1000xf32>, vector<1000x128xf32>, vector<128x128xf32> -> vector<128x128xf32>
    %add3A_42 = arith.addf %get3A_40, %dot_general3A_41 : vector<128x128xf32>
    %swap3A = arith.constant 0 : index
    %swap3A_43 = arith.constant 0 : index
    %swap3A_44 = vector.load %arg11[%swap3A, %swap3A_43] : memref<128x128xf32, #tpu.memory_space<vmem>>, vector<128x128xf32>
    tpu.vector_store %arg11[%swap3A, %swap3A_43], %add3A_42 {strides = array<i32>} : memref<128x128xf32, #tpu.memory_space<vmem>>, vector<128x128xf32>,
    %get3A_45 = arith.constant 0 : index
    %get3A_46 = arith.constant 0 : index
    %get3A_47 = vector.load %arg12[%get3A_45, %get3A_46] : memref<1x128xf32, #tpu.memory_space<vmem>>, vector<1x128xf32>
    %reduce_sum3A = arith.constant dense<0.000000e+00> : vector<128xf32>
    %reduce_sum3A_48 = vector.multi_reduction <add>, %convert_element_type3A_37, %reduce_sum3A [0] : vector<1000x128xf32> to vector<128xf32>
    %broadcast_in_dim3A = vector.shape_cast %reduce_sum3A_48 : vector<128xf32> to vector<1x128xf32>
    %add3A_49 = arith.addf %get3A_47, %broadcast_in_dim3A : vector<1x128xf32>
    %swap3A_50 = arith.constant 0 : index
    %swap3A_51 = arith.constant 0 : index
    %swap3A_52 = vector.load %arg12[%swap3A_50, %swap3A_51] : memref<1x128xf32, #tpu.memory_space<vmem>>, vector<1x128xf32>
    tpu.vector_store %arg12[%swap3A_50, %swap3A_51], %add3A_49 {strides = array<i32>} : memref<1x128xf32, #tpu.memory_space<vmem>>, vector<1x128xf32>,
    %eq3A_53 = arith.constant 9 : i32
    %eq3A_54 = arith.cmpi eq, %arg0, %eq3A_53 : i32
    %convert_element_type3A_55 = arith.extui %eq3A_54 : i1 to i32
    %cond3A_56 = arith.constant 0 : i32
    %cond3A_57 = arith.cmpi ne, %convert_element_type3A_55, %cond3A_56 : i32
    scf.if %cond3A_57 {
      %get3A_58 = arith.constant 0 : index
      %get3A_59 = arith.constant 0 : index
      %get3A_60 = vector.load %arg11[%get3A_58, %get3A_59] : memref<128x128xf32, #tpu.memory_space<vmem>>, vector<128x128xf32>
      %get3A_61 = arith.constant 0 : index
      %get3A_62 = arith.constant 0 : index
      %get3A_63 = vector.load %arg12[%get3A_61, %get3A_62] : memref<1x128xf32, #tpu.memory_space<vmem>>, vector<1x128xf32>
      %max3A_64 = arith.constant 1.000000e+00 : f32
      %max3A_65 = vector.broadcast %max3A_64 : f32 to vector<1x128xf32>
      %max3A_66 = arith.maximumf %get3A_63, %max3A_65 : vector<1x128xf32>
      %transpose3A_67 = tpu.transpose %max3A_66, [1, 0] : vector<1x128xf32> -> vector<128x1xf32>
      %div3A = vector.broadcast %transpose3A_67 : vector<128x1xf32> to vector<128x128xf32>
      %div3A_68 = arith.divf %get3A_60, %div3A : vector<128x128xf32>
      %get3A_69 = arith.constant 0 : index
      %get3A_70 = arith.constant 0 : index
      %get3A_71 = vector.load %arg8[%get3A_69, %get3A_70] : memref<128x10xf32, #tpu.memory_space<vmem>>, vector<128x10xf32>
      %dot_general3A_72 = arith.constant dense<0.000000e+00> : vector<128x10xf32>
      %dot_general3A_73 = tpu.matmul %div3A_68, %get3A_71, %dot_general3A_72 {dimension_numbers = #tpu.dot_dimension_numbers<[1], [0], [0], [1], [0, 0, 1, 1], [], []>, transpose_lhs_hint = false} : vector<128x128xf32>, vector<128x10xf32>, vector<128x10xf32> -> vector<128x10xf32>
      %get3A_74 = arith.constant 0 : index
      %get3A_75 = arith.constant 0 : index
      %get3A_76 = vector.load %arg9[%get3A_74, %get3A_75] : memref<1x10xf32, #tpu.memory_space<vmem>>, vector<1x10xf32>
      %add3A_77 = vector.broadcast %get3A_76 : vector<1x10xf32> to vector<128x10xf32>
      %add3A_78 = arith.addf %dot_general3A_73, %add3A_77 : vector<128x10xf32>
      %reduce_max3A = arith.constant dense<0xFF800000> : vector<128xf32>
      %reduce_max3A_79 = vector.multi_reduction <maximumf>, %add3A_78, %reduce_max3A [1] : vector<128x10xf32> to vector<128xf32>
      %broadcast_in_dim3A_80 = vector.shape_cast %reduce_max3A_79 : vector<128xf32> to vector<128x1xf32>
      %sub3A = vector.broadcast %broadcast_in_dim3A_80 : vector<128x1xf32> to vector<128x10xf32>
      %sub3A_81 = arith.subf %add3A_78, %sub3A : vector<128x10xf32>
      %exp3A = math.exp %sub3A_81 : vector<128x10xf32>
      %reduce_sum3A_82 = arith.constant dense<0.000000e+00> : vector<128xf32>
      %reduce_sum3A_83 = vector.multi_reduction <add>, %exp3A, %reduce_sum3A_82 [1] : vector<128x10xf32> to vector<128xf32>
      %broadcast_in_dim3A_84 = vector.shape_cast %reduce_sum3A_83 : vector<128xf32> to vector<128x1xf32>
      %log3A = math.log %broadcast_in_dim3A_84 : vector<128x1xf32>
      %add3A_85 = arith.addf %log3A, %broadcast_in_dim3A_80 : vector<128x1xf32>
      %sub3A_86 = vector.broadcast %add3A_85 : vector<128x1xf32> to vector<128x10xf32>
      %sub3A_87 = arith.subf %add3A_78, %sub3A_86 : vector<128x10xf32>
      %swap3A_88 = arith.constant 0 : index
      %swap3A_89 = arith.constant 0 : index
      %swap3A_90 = vector.load %arg10[%swap3A_88, %swap3A_89] : memref<128x10xf32, #tpu.memory_space<vmem>>, vector<128x10xf32>
      tpu.vector_store %arg10[%swap3A_88, %swap3A_89], %sub3A_87 {strides = array<i32>} : memref<128x10xf32, #tpu.memory_space<vmem>>, vector<128x10xf32>,
    } else {
    }
    return
  }
  func.func @transform_0(%arg0: i32) -> (i32, i32) {
    %c0_i32 = arith.constant 0 : i32
    %c0_i32_0 = arith.constant 0 : i32
    return %arg0, %c0_i32 : i32, i32
  }
  func.func @transform_1(%arg0: i32) -> (i32, i32) {
    %c0_i32 = arith.constant 0 : i32
    %c0_i32_0 = arith.constant 0 : i32
    return %arg0, %c0_i32 : i32, i32
  }
  func.func @transform_2(%arg0: i32) -> (i32, i32) {
    %c0_i32 = arith.constant 0 : i32
    %c0_i32_0 = arith.constant 0 : i32
    return %arg0, %c0_i32 : i32, i32
  }
  func.func @transform_3(%arg0: i32) -> (i32, i32) {
    %c0_i32 = arith.constant 0 : i32
    %c0_i32_0 = arith.constant 0 : i32
    return %arg0, %c0_i32 : i32, i32
  }
  func.func @transform_4(%arg0: i32) -> (i32, i32) {
    %c0_i32 = arith.constant 0 : i32
    %c0_i32_0 = arith.constant 0 : i32
    return %arg0, %c0_i32 : i32, i32
  }
  func.func @transform_5(%arg0: i32) -> (i32, i32) {
    %c0_i32 = arith.constant 0 : i32
    %c0_i32_0 = arith.constant 0 : i32
    return %arg0, %c0_i32 : i32, i32
  }
  func.func @transform_6(%arg0: i32) -> (i32, i32) {
    %c0_i32 = arith.constant 0 : i32
    %c0_i32_0 = arith.constant 0 : i32
    %c0_i32_1 = arith.constant 0 : i32
    return %c0_i32, %c0_i32_0 : i32, i32
  }
  func.func @transform_7(%arg0: i32) -> (i32, i32) {
    %c0_i32 = arith.constant 0 : i32
    %c0_i32_0 = arith.constant 0 : i32
    %c0_i32_1 = arith.constant 0 : i32
    return %c0_i32, %c0_i32_0 : i32, i32
  }
  func.func @transform_8(%arg0: i32) -> (i32, i32) {
    %c0_i32 = arith.constant 0 : i32
    %c0_i32_0 = arith.constant 0 : i32
    %c0_i32_1 = arith.constant 0 : i32
    return %c0_i32, %c0_i32_0 : i32, i32
  }
  func.func @transform_9(%arg0: i32) -> (i32, i32) {
    %c0_i32 = arith.constant 0 : i32
    %c0_i32_0 = arith.constant 0 : i32
    %c0_i32_1 = arith.constant 0 : i32
    return %c0_i32, %c0_i32_0 : i32, i32
  }
}

</mosaic_0001>

<sc_bundles>
// kernel: kernel.10.cloned.1.call-start
scs
__scs_entry_jumppad:
0x0: {  	(pc) =	sbr.rel $0x88, $3  }
0x1: {  	(tag) =	ssettag $0x0;
	lr =	simm.s32 $0x1  }
0x2: {  	[smem:$0x3F9A] =	sst lr;
	_ =	strace $0xD0000000  }
0x3: {  	_ = 	snop  }
0x4: {  	_ = 	snop  }
0x5: {  	_ = 	snop  }
0x6: {  	_ = 	snop  }
0x7: {  	_ = 	snop  }
__scs_overlays_trampoline_lowered:
0x8: {  	[smem:$0x3FA9] =	sst s0  }
0x9: {  	[smem:$0x3FAA] =	sst s1  }
0xa: {  	[smem:$0x3FAB] =	sst s2  }
0xb: {  	[smem:$0x3FAC] =	sst s3  }
0xc: {  	[smem:$0x3FAD] =	sst s4  }
0xd: {  	[smem:$0x3FAE] =	sst s5  }
0xe: {  	[smem:$0x3FAF] =	sst s6  }
0xf: {  	[smem:$0x3FB0] =	sst s7  }
0x10: {  	[smem:$0x3FB1] =	sst s8  }
0x11: {  	[smem:$0x3FB2] =	sst s9;
	s0 =	simm.s32 @!p0 $0x0  }
0x12: {  	s1 =	sld [smem:$0x3F98];
	s0 =	simm.s32 @p0 $0x1  }
0x13: {  	[smem:$0x3FB3] =	sst s0;
	s0 =	simm.s32 @!p1 $0x0  }
0x14: {  	s2 =	sld [smem:$0x3F97];
	s0 =	simm.s32 @p1 $0x1  }
0x15: {  	[smem:$0x3FB4] =	sst s0;
	s0 =	simm.s32 @!p2 $0x0  }
0x16: {  	s3 =	sld [smem:$0x3FDB];
	s0 =	simm.s32 @p2 $0x1  }
0x17: {  	s4 =	simm.s32 $0x1BF5;
	[smem:$0x3FB6] =	sst s0  }
0x18: {  	s0 =	sld [smem:$0x3F99];
	_ =	swait.ge [sflag:s4], $0x0  }
0x19: {  	s7 =	sld [smem:$0x3F9A]  }
0x1a: {  	s8 =	sadd.s32 $0xFFFFE003, lr  }
0x1b: {  	s9 =	sadd.s32 $0xFFFFFEF7, lr;
	s5 =	simm.s32 $0xFFFFFFFF;
	p2 =	slt.u32 s8, $0xFFFFF086  }
0x1c: {  	p1 =	slt.u32 s9, $0xF7A;
	s5 =	simm.s32 @!p2 $0x0  }
0x1d: {  	s5 =	simm.s32 @p1 $0x1;
	p0 =	seq.s32 s7, s2  }
0x1e: {  	s7 =	smul.u32 @!p0 $0xF7A, s2;
	p2 =	seq.s32 @!p0 s5, $0x0  }
0x1f: {  	s9 =	smul.u32 $0xF7A, s1;
	s8 =	simm.s32 @!p0 $0x1BF5;
	p2 =	por !p2, p0  }
0x20: {  	[sflag:s8] =	ssyncset.s32 @!p0 $0xFFFFF086;
	s6 =	sadd.s32 @!p0 s3, s7;
	s7 =	simm.s32 @!p0 $0x108  }
0x21: {  	s3 =	sadd.s32 s3, s9;
	s6 =	sadd.s32 @!p0 $0x88, s6;
	s7 =	simm.s32 @p2 $0x1082  }
0x22: {  	[simem:s7], [sflag:s8] =	dma.local @!p0 [hbm:s6], $0xF7A  }
0x23: {  	s9 =	sor.u32 $0xD0000000, s2;
	s6 =	simm.s32 $0x108;
	_ =	swait.ge @!p0 [sflag:s8], $0x0  }
0x24: {  	s3 =	sadd.s32 $0x88, s3;
	s6 =	simm.s32 @!p1 $0x1082;
	[sflag:s4] =	ssyncset.s32 $0xFFFFF086  }
0x25: {  	[simem:s6], [sflag:s4] =	dma.local [hbm:s3], $0xF7A  }
0x26: {  	[smem:$0x3F9A] =	sst s1;
	(tag) =	ssettag s2;
	_ =	strace s9  }
0x27: {  	s1 =	sld [smem:$0x3FAA]  }
0x28: {  	s2 =	sld [smem:$0x3FAB]  }
0x29: {  	s4 =	sld [smem:$0x3FAD]  }
0x2a: {  	p0 =	seq.s32 s5, $0x0;
	s5 =	sld [smem:$0x3FAE]  }
0x2b: {  	s6 =	sld [smem:$0x3FAF]  }
0x2c: {  	s7 =	sld [smem:$0x3FB0]  }
0x2d: {  	s3 =	simm.s32 $0x108;
	s8 =	sld [smem:$0x3FB1]  }
0x2e: {  	s3 =	simm.s32 @!p0 $0x1082;
	s9 =	sld [smem:$0x3FB2]  }
0x2f: {  	lr =	sadd.s32 s0, s3;
	s0 =	sld [smem:$0x3FA9]  }
0x30: {  	s3 =	sld [smem:$0x3FAC]  }
0x31: {  	[smem:$0x3FB5] =	sst s10  }
0x32: {  	s10 =	sld [smem:$0x3FB3];
	_ =	sdelay $0x3  }
0x33: {  	p0 =	seq.s32 s10, $0x1;
	s10 =	sld [smem:$0x3FB5];
	_ =	sdelay $0x3  }
0x34: {  	[smem:$0x3FB5] =	sst s10  }
0x35: {  	s10 =	sld [smem:$0x3FB4];
	_ =	sdelay $0x3  }
0x36: {  	p1 =	seq.s32 s10, $0x1;
	s10 =	sld [smem:$0x3FB5];
	_ =	sdelay $0x3  }
0x37: {  	[smem:$0x3FB5] =	sst s10  }
0x38: {  	s10 =	sld [smem:$0x3FB6]  }
0x39: {  	_ = 	snop;
	(pc) =	sbr.ind lr, $3  }
0x3a: {  	_ = 	snop  }
0x3b: {  	_ = 	snop  }
0x3c: {  	p2 =	seq.s32 s10, $0x1;
	s10 =	sld [smem:$0x3FB5]  }
0x3d: {  	_ =	shalt  }
0x3e: {  	_ =	shalt  }
0x3f: {  	_ =	shalt  }
0x40: {  	_ =	shalt  }
0x41: {  	_ =	shalt  }
0x42: {  	_ =	shalt  }
0x43: {  	_ =	shalt  }
0x44: {  	_ =	shalt  }
0x45: {  	_ =	shalt  }
0x46: {  	_ =	shalt  }
0x47: {  	_ =	shalt  }
0x48: {  	_ =	shalt  }
0x49: {  	_ =	shalt  }
0x4a: {  	_ =	shalt  }
0x4b: {  	_ =	shalt  }
0x4c: {  	_ =	shalt  }
0x4d: {  	_ =	shalt  }
0x4e: {  	_ =	shalt  }
0x4f: {  	_ =	shalt  }
0x50: {  	_ =	shalt  }
0x51: {  	_ =	shalt  }
0x52: {  	_ =	shalt  }
0x53: {  	_ =	shalt  }
0x54: {  	_ =	shalt  }
0x55: {  	_ =	shalt  }
0x56: {  	_ =	shalt  }
0x57: {  	_ =	shalt  }
0x58: {  	_ =	shalt  }
0x59: {  	_ =	shalt  }
0x5a: {  	_ =	shalt  }
0x5b: {  	_ =	shalt  }
0x5c: {  	_ =	shalt  }
0x5d: {  	_ =	shalt  }
0x5e: {  	_ =	shalt  }
0x5f: {  	_ =	shalt  }
0x60: {  	_ =	shalt  }
0x61: {  	_ =	shalt  }
0x62: {  	_ =	shalt  }
0x63: {  	_ =	shalt  }
0x64: {  	_ =	shalt  }
0x65: {  	_ =	shalt  }
0x66: {  	_ =	shalt  }
0x67: {  	_ =	shalt  }
0x68: {  	_ =	shalt  }
0x69: {  	_ =	shalt  }
0x6a: {  	_ =	shalt  }
0x6b: {  	_ =	shalt  }
0x6c: {  	_ =	shalt  }
0x6d: {  	_ =	shalt  }
0x6e: {  	_ =	shalt  }
0x6f: {  	_ =	shalt  }
0x70: {  	_ =	shalt  }
0x71: {  	_ =	shalt  }
0x72: {  	_ =	shalt  }
0x73: {  	_ =	shalt  }
0x74: {  	_ =	shalt  }
0x75: {  	_ =	shalt  }
0x76: {  	_ =	shalt  }
0x77: {  	_ =	shalt  }
0x78: {  	_ =	shalt  }
0x79: {  	_ =	shalt  }
0x7a: {  	_ =	shalt  }
0x7b: {  	_ =	shalt  }
0x7c: {  	_ =	shalt  }
0x7d: {  	_ =	shalt  }
0x7e: {  	_ =	shalt  }
0x7f: {  	_ =	shalt  }
0x80: {  	_ =	shalt  }
0x81: {  	_ =	shalt  }
0x82: {  	_ =	shalt  }
0x83: {  	_ =	shalt  }
0x84: {  	_ =	shalt  }
0x85: {  	_ =	shalt  }
0x86: {  	_ =	shalt  }
0x87: {  	_ =	shalt  }
.Lfunc_end0:
.L_simem_size_0:
called_computation.1_lowered:
.L_overlay_start_0:
0x88: {  	s2 =	sld [smem:$0x3FD9]  }
0x89: {  	s3 =	sld [smem:$0x3FFE];
	_ =	sdelay $0x1  }
0x8a: {  	s1 =	srdreg.scid  }
0x8b: {  	s0 =	sand.u32 $0x1, s1  }
0x8c: {  	s16 =	sshll.u32 s0, $0xA;
	s2 =	sadd.s32 s3, s2  }
0x8d: {  	s2 =	sadd.s32 s2, s16  }
0x8e: {  	[smem:$0x3FC1] =	sst s2  }
0x8f: {  	_ = 	snop  }
0x90: {  	(tm) =	ssettm $0x1  }
0x91: {  	s17 =	sld [smem:$0x3FFB];
	_ =	sdelay $0x3  }
0x92: {  	_ =	strace s17  }
0x93: {  	s2 =	sld [smem:$0x3FFC];
	_ =	sdelay $0x3  }
0x94: {  	_ =	strace s2  }
0x95: {  	s2 =	sld [smem:$0x3FFD];
	_ =	sdelay $0x3  }
0x96: {  	_ =	strace s2  }
0x97: {  	_ =	strace $0x8FFFFFFF  }
0x98: {  	s18 =	sld [smem:$0x3FDB];
	_ =	sdelay $0x1  }
0x99: {  	s19 =	simm.s32 $_scs_section_size  }
0x9a: {  	s4 =	simm.s32 $_size__tile_overlayer_lowered;
	s5 =	simm.s32 $_tile_overlayer_lowered  }
0x9b: {  	s22 =	simm.s32 $0x1BFF;
	s21 =	sshll.u32 s5, $0x1;
	s2 =	sadd.s32 s19, s18  }
0x9c: {  	s6 =	simm.s32 $0x0;
	s20 =	sshll.u32 s4, $0x1;
	s4 =	sadd.s32 s21, s2  }
0x9d: {  	[timem:s6], [sflag:s22] =	dma.local [hbm:s4], s20  }
0x9e: {  	_ =	swait.ge [sflag:s22], s20  }
0x9f: {  	s3 =	ssub.s32 $0x0, s20;
	[sflag:s22] =	ssyncset.done $0x0  }
0xa0: {  	[sflag:s22] =	ssyncadd.s32 s3;
	_ =	sdelay $0x1  }
0xa1: {  	s23 =	simm.s32 $0x1B8B  }
0xa2: {  	_ =	swait.ge [sflag:s23], $0x1  }
0xa3: {  	[sflag:s23] =	ssyncset.done $0x0  }
0xa4: {  	s25 =	simm.s32 $0x1B8E;
	s24 =	sld [smem:$0x3FFE];
	[sflag:s23] =	ssyncadd.s32 $0xFFFFFFFF  }
0xa5: {  	s26 =	simm.s32 $execute0_lowered;
	[smem:$0x3FD2] =	sst s25  }
0xa6: {  	s4 =	sshll.u32 s26, $0x1;
	_ =	strace $0x80000049;
	[dreg:$0x1] =	wrdreg $0xFFFFFFFF  }
0xa7: {  	s28 =	simm.s32 $_size_execute0_lowered;
	s2 =	sadd.s32 s2, s4;
	[dreg:$0x0] =	wrdreg $0x0  }
0xa8: {  	s4 =	sshll.u32 s28, $0x1;
	[dreg:$0x2] =	wrdreg s2  }
0xa9: {  	[dreg:$0x3] =	wrdreg s4  }
0xaa: {  	[dreg:$0x4] =	wrdreg $0xC0  }
0xab: {  	_ =	task [dreg:s6], $0x5FFFF  }
0xac: {  	[dreg:$0x1] =	wrdreg $0xFFFFFFFF  }
0xad: {  	[dreg:$0x0] =	wrdreg $0x60  }
0xae: {  	[dreg:$0x2] =	wrdreg s24  }
0xaf: {  	[dreg:$0x3] =	wrdreg $0xA8000  }
0xb0: {  	[dreg:$0x4] =	wrdreg $0x9  }
0xb1: {  	_ =	task.clear_ibuf [dreg:s6], $0x5FFFF;
	_ =	strace $0x90000049  }
0xb2: {  	s29 =	simm.s32 $0x9;
	_ =	strace $0x8000004B  }
0xb3: {  	_ =	swait.ge [sflag:s29], $0x1  }
0xb4: {  	[sflag:s29] =	ssyncadd.s32 $0xFFFFFFFF  }
0xb5: {  	_ =	strace $0x9000004B  }
0xb6: {  	_ =	sfence  }
0xb7: {  	s30 =	sld [smem:$0x0];
	_ =	sdelay $0x2  }
0xb8: {  	s31 =	sshll.u32 s1, $0xD;
	s1 =	sshrl.u32 s1, $0x2  }
0xb9: {  	s3 =	sand.u32 $0x4000, s31;
	s1 =	sadd.s32 s1, s30  }
0xba: {  	s0 =	sor.u32 s3, s0;
	s1 =	sshll.u32 s1, $0x11  }
0xbb: {  	s0 =	sor.u32 s1, s0  }
0xbc: {  	s0 =	sadd.s32 $0x8F2B, s0  }
0xbd: {  	[sflag:s0] =	ssyncadd.remote.s32 $0x1  }
0xbe: {  	_ =	sfence.sel $0xFFFF  }
0xbf: {  	[dreg:$0x0] =	wrdreg $0xFFFFFFFF;
	(pc) =	sbr.abs _section_cstart, $3  }
0xc0: {  	[dreg:$0x1] =	wrdreg $0xFFFFFFFF  }
0xc1: {  	_ =	task.clear_ibuf [dreg:s6], $0x2FFFF;
	_ =	strace $0x9FFFFFFF  }
0xc2: {  	(tm) =	ssettm $0x7FFFFFFF  }
0xc3: {  	_ =	shalt  }
tec
execute0_lowered:
.L_overlay_start_1:
0x0: {  	(tag) =	ssettag $0x1  }
0x1: {  	s6 =	rddreg [dreg:$0x0]  }
0x2: {  	s1 =	rddreg [dreg:$0x1]  }
0x3: {  	s0 =	rddreg [dreg:$0x2];
	s3 =	simm.s32 $0x0;
	s2 =	srdreg.scid  }
0x4: {  	s16 =	simm.s32 $0x80;
	s17 =	simm.s32 $0x2800;
	s18 =	simm.s32 $0x1  }
0x5: {  	s19 =	simm.s32 $0x6800;
	s20 =	simm.s32 $0x2;
	s21 =	simm.s32 $0x1380  }
0x6: {  	s22 =	simm.s32 $0x2700;
	s23 =	simm.s32 $0x2780;
	[smem:$0x7FF] =	sst s3  }
0x7: {  	s7 =	sand.u32 $0x1, s2;
	s2 =	stileid.u32;
	s4 =	sadd.s32 $0x48200, s6  }
0x8: {  	s10 =	sadd.s32 $0x17000, s6;
	s11 =	sadd.s32 $0xC400, s6;
	s8 =	smul.u32 $0x13C000, s7  }
0x9: {  	s5 =	sadd.s32 $0x2400, s6;
	_ =	strace $0x8000004A;
	s9 =	smul.u32 $0x13C00, s2  }
0xa: {  	s24 =	sshll.u32 s7, $0x4;
	s7 =	ssub.s32 $0x2, s7;
	s12 =	smul.u32 $0x4F000, s2  }
0xb: {  	s26 =	sshll.u32 s2, $0x6;
	s13 =	sshrl.u32 s7, $0x1;
	s8 =	sadd.s32 s9, s8  }
0xc: {  	s9 =	sor.u32 s2, s24;
	s13 =	ssub.s32 s7, s13;
	s25 =	sshrl.u32 s12, $0x2  }
0xd: {  	s24 =	simm.s32 $0x0;
	s8 =	sshrl.u32 s8, $0x3;
	s14 =	smul.u32 $0x2800, s9  }
0xe: {  	s28 =	smul.u32 $0x500, s9;
	s30 =	sadd.s32 s25, s1;
	s12 =	smax.u32 s13, $0x1  }
0xf: {  	s15 =	sadd.s32 s8, s6;
	s6 =	sor.u32 $0x1C03, s26;
	s29 =	sshrl.u32 s14, $0x3  }
0x10: {  	s13 =	sshrl.u32 s30, $0x3;
	s7 =	sadd.s32 s10, s28;
	s31 =	sadd.s32 $0x280, s29  }
0x11: {  	s8 =	sadd.s32 s11, s28;
	s14 =	simm.s32 $0x3;
	s9 =	sadd.s32 s10, s31  }
0x12: {  	s10 =	sadd.s32 s11, s31;
	s11 =	sadd.s32 $0x6F400, s15;
	s15 =	simm.s32 $0x1400  }
.LBB2_1:
0x13: {  	[spmem:s13], [sflag:s6] =	dma.local [hbm:s5], $0x2780  }
0x14: {  	_ =	swait.ge [sflag:s14], $0x2780  }
0x15: {  	[sflag:s14] =	ssyncset.done $0x0  }
0x16: {  	[sflag:s14] =	ssyncadd.s32 $0xFFFFD880  }
0x17: {  	[bflag:$0x0] =	sbarrier.arrive $0xFFFF  }
0x18: {  	[tilespmem:s3], [sflag:$0x3] =	stream.linear.gather [hbm4b:s7+s3], $0x1400, $0x38;
	[tilespmem:$0x1E400] =	vst v63  }
0x19: {  	_ =	swait.ge [sflag:s14], $0x1400  }
0x1a: {  	[sflag:s14] =	ssyncset.done $0x0  }
0x1b: {  	[sflag:s14] =	ssyncadd.s32 $0xFFFFEC00  }
0x1c: {  	[tilespmem:s15], [sflag:$0x3] =	stream.linear.gather [hbm4b:s8+s3], $0x1400, $0x38;
	[tilespmem:$0x1E400] =	vst v63  }
0x1d: {  	_ =	swait.ge [sflag:s14], $0x1400  }
0x1e: {  	[sflag:s14] =	ssyncset.done $0x0  }
0x1f: {  	[sflag:s14] =	ssyncadd.s32 $0xFFFFEC00  }
0x20: {  	[tilespmem:s17], [sflag:$0x1] =	stream.indirect.gather [hbm4b:s4+s16], $0x80, s3, s16, $0xb8;
	[tilespmem:$0x1E400] =	vst v63  }
0x21: {  	_ =	swait.ge [sflag:s18], $0x4000  }
0x22: {  	[sflag:s18] =	ssyncset.done $0x0  }
0x23: {  	s25 =	simm.s32 $0x80;
	[sflag:s18] =	ssyncadd.s32 $0xFFFFC000  }
0x24: {  	[tilespmem:s19], [sflag:$0x2] =	stream.indirect.gather [hbm4b:s4+s16], $0x80, s25, s16, $0xb8;
	[tilespmem:$0x1E400] =	vst v63  }
0x25: {  	s29 =	simm.s32 $0x1400  }
0x26: {  	[spmem:s1] =	stream.indirect.scatter.add.f32 [tilespmem:s17], [sflag:$0x3], $0x80, s29, s16, $0xb8;
	[tilespmem:$0x1E400] =	vst v63  }
0x27: {  	_ =	swait.ge [sflag:s14], $0x4000  }
0x28: {  	[sflag:s14] =	ssyncset.done $0x0  }
0x29: {  	[sflag:s14] =	ssyncadd.s32 $0xFFFFC000  }
0x2a: {  	_ =	swait.ge [sflag:s20], $0x4000  }
0x2b: {  	[sflag:s20] =	ssyncset.done $0x0  }
0x2c: {  	s30 =	simm.s32 $0x100;
	[sflag:s20] =	ssyncadd.s32 $0xFFFFC000  }
0x2d: {  	[tilespmem:s17], [sflag:$0x1] =	stream.indirect.gather [hbm4b:s4+s16], $0x80, s30, s16, $0xb8;
	[tilespmem:$0x1E400] =	vst v63  }
0x2e: {  	s31 =	simm.s32 $0x1480  }
0x2f: {  	[spmem:s1] =	stream.indirect.scatter.add.f32 [tilespmem:s19], [sflag:$0x3], $0x80, s31, s16, $0xb8;
	[tilespmem:$0x1E400] =	vst v63  }
0x30: {  	_ =	swait.ge [sflag:s14], $0x4000  }
0x31: {  	s25 =	simm.s32 $0x400;
	[sflag:s14] =	ssyncset.done $0x0  }
.LBB2_2:
0x32: {  	p0 =	sne.s32 s25, $0x4800  }
0x33: {  	[sflag:s14] =	ssyncadd.s32 $0xFFFFC000;
	s26 =	smov.u32 s25;
	s25 =	sadd.s32 $0x400, s25  }
0x34: {  	_ = 	snop  }
0x35: {  	_ =	swait.ge [sflag:s18], $0x4000  }
0x36: {  	s26 =	sshra.s32 s26, $0x2;
	[sflag:s18] =	ssyncset.done $0x0  }
0x37: {  	s28 =	sadd.s32 $0x80, s26;
	[sflag:s18] =	ssyncadd.s32 $0xFFFFC000  }
0x38: {  	[tilespmem:s19], [sflag:$0x2] =	stream.indirect.gather [hbm4b:s4+s16], $0x80, s28, s16, $0xb8;
	[tilespmem:$0x1E400] =	vst v63  }
0x39: {  	s28 =	sadd.s32 $0x1400, s26  }
0x3a: {  	[spmem:s1] =	stream.indirect.scatter.add.f32 [tilespmem:s17], [sflag:$0x3], $0x80, s28, s16, $0xb8;
	[tilespmem:$0x1E400] =	vst v63  }
0x3b: {  	_ =	swait.ge [sflag:s14], $0x4000  }
0x3c: {  	[sflag:s14] =	ssyncset.done $0x0  }
0x3d: {  	[sflag:s14] =	ssyncadd.s32 $0xFFFFC000  }
0x3e: {  	_ =	swait.ge [sflag:s20], $0x4000  }
0x3f: {  	[sflag:s20] =	ssyncset.done $0x0  }
0x40: {  	s28 =	sadd.s32 $0x100, s26;
	[sflag:s20] =	ssyncadd.s32 $0xFFFFC000  }
0x41: {  	[tilespmem:s17], [sflag:$0x1] =	stream.indirect.gather [hbm4b:s4+s16], $0x80, s28, s16, $0xb8;
	[tilespmem:$0x1E400] =	vst v63  }
.Ltmp0:
0x42: {  	_ = 	snop;
	(pc) =	sbr.rel @p0 .LBB2_2-.Ltmp0, $4  }
0x43: {  	s26 =	sadd.s32 $0x1480, s26  }
0x44: {  	[spmem:s1] =	stream.indirect.scatter.add.f32 [tilespmem:s19], [sflag:$0x3], $0x80, s26, s16, $0xb8;
	[tilespmem:$0x1E400] =	vst v63  }
0x45: {  	_ =	swait.ge [sflag:s14], $0x4000  }
0x46: {  	[sflag:s14] =	ssyncset.done $0x0  }
0x47: {  	[sflag:s14] =	ssyncadd.s32 $0xFFFFC000  }
0x48: {  	_ =	swait.ge [sflag:s18], $0x4000  }
0x49: {  	[sflag:s18] =	ssyncset.done $0x0  }
0x4a: {  	[sflag:s18] =	ssyncadd.s32 $0xFFFFC000  }
0x4b: {  	[tilespmem:s19], [sflag:$0x2] =	stream.indirect.gather [hbm4b:s4+s16], $0x80, s21, s16, $0xb8;
	[tilespmem:$0x1E400] =	vst v63  }
0x4c: {  	_ = 	snop  }
0x4d: {  	[spmem:s1] =	stream.indirect.scatter.add.f32 [tilespmem:s17], [sflag:$0x3], $0x80, s22, s16, $0xb8;
	[tilespmem:$0x1E400] =	vst v63  }
0x4e: {  	_ =	swait.ge [sflag:s14], $0x4000  }
0x4f: {  	[sflag:s14] =	ssyncset.done $0x0  }
0x50: {  	[sflag:s14] =	ssyncadd.s32 $0xFFFFC000  }
0x51: {  	_ =	swait.ge [sflag:s20], $0x4000  }
0x52: {  	[sflag:s20] =	ssyncset.done $0x0  }
0x53: {  	[sflag:s20] =	ssyncadd.s32 $0xFFFFC000  }
0x54: {  	[spmem:s1] =	stream.indirect.scatter.add.f32 [tilespmem:s19], [sflag:$0x3], $0x80, s23, s16, $0xb8;
	[tilespmem:$0x1E400] =	vst v63  }
0x55: {  	_ =	swait.ge [sflag:s14], $0x4000  }
0x56: {  	[sflag:s14] =	ssyncset.done $0x0  }
0x57: {  	s25 =	simm.s32 $0x0;
	[sflag:s14] =	ssyncadd.s32 $0xFFFFC000  }
0x58: {  	[tilespmem:s25], [sflag:$0x3] =	stream.linear.gather [hbm4b:s9+s25], $0x1400, $0x38;
	[tilespmem:$0x1E400] =	vst v63  }
0x59: {  	_ =	swait.ge [sflag:s14], $0x1400  }
0x5a: {  	[sflag:s14] =	ssyncset.done $0x0  }
0x5b: {  	[sflag:s14] =	ssyncadd.s32 $0xFFFFEC00  }
0x5c: {  	[tilespmem:s15], [sflag:$0x3] =	stream.linear.gather [hbm4b:s10+s25], $0x1400, $0x38;
	[tilespmem:$0x1E400] =	vst v63  }
0x5d: {  	_ =	swait.ge [sflag:s14], $0x1400  }
0x5e: {  	[sflag:s14] =	ssyncset.done $0x0  }
0x5f: {  	[sflag:s14] =	ssyncadd.s32 $0xFFFFEC00  }
0x60: {  	[tilespmem:s17], [sflag:$0x1] =	stream.indirect.gather [hbm4b:s4+s16], $0x80, s25, s16, $0xb8;
	[tilespmem:$0x1E400] =	vst v63  }
0x61: {  	_ =	swait.ge [sflag:s18], $0x4000  }
0x62: {  	[sflag:s18] =	ssyncset.done $0x0  }
0x63: {  	s28 =	simm.s32 $0x80;
	[sflag:s18] =	ssyncadd.s32 $0xFFFFC000  }
0x64: {  	[tilespmem:s19], [sflag:$0x2] =	stream.indirect.gather [hbm4b:s4+s16], $0x80, s28, s16, $0xb8;
	[tilespmem:$0x1E400] =	vst v63  }
0x65: {  	s29 =	simm.s32 $0x1400  }
0x66: {  	[spmem:s1] =	stream.indirect.scatter.add.f32 [tilespmem:s17], [sflag:$0x3], $0x80, s29, s16, $0xb8;
	[tilespmem:$0x1E400] =	vst v63  }
0x67: {  	_ =	swait.ge [sflag:s14], $0x4000  }
0x68: {  	[sflag:s14] =	ssyncset.done $0x0  }
0x69: {  	[sflag:s14] =	ssyncadd.s32 $0xFFFFC000  }
0x6a: {  	_ =	swait.ge [sflag:s20], $0x4000  }
0x6b: {  	[sflag:s20] =	ssyncset.done $0x0  }
0x6c: {  	s30 =	simm.s32 $0x100;
	[sflag:s20] =	ssyncadd.s32 $0xFFFFC000  }
0x6d: {  	[tilespmem:s17], [sflag:$0x1] =	stream.indirect.gather [hbm4b:s4+s16], $0x80, s30, s16, $0xb8;
	[tilespmem:$0x1E400] =	vst v63  }
0x6e: {  	s31 =	simm.s32 $0x1480  }
0x6f: {  	[spmem:s1] =	stream.indirect.scatter.add.f32 [tilespmem:s19], [sflag:$0x3], $0x80, s31, s16, $0xb8;
	[tilespmem:$0x1E400] =	vst v63  }
0x70: {  	_ =	swait.ge [sflag:s14], $0x4000  }
0x71: {  	s25 =	simm.s32 $0x400;
	[sflag:s14] =	ssyncset.done $0x0  }
.LBB2_4:
0x72: {  	p0 =	sne.s32 s25, $0x4800  }
0x73: {  	[sflag:s14] =	ssyncadd.s32 $0xFFFFC000;
	s26 =	smov.u32 s25;
	s25 =	sadd.s32 $0x400, s25  }
0x74: {  	_ = 	snop  }
0x75: {  	_ =	swait.ge [sflag:s18], $0x4000  }
0x76: {  	s26 =	sshra.s32 s26, $0x2;
	[sflag:s18] =	ssyncset.done $0x0  }
0x77: {  	s28 =	sadd.s32 $0x80, s26;
	[sflag:s18] =	ssyncadd.s32 $0xFFFFC000  }
0x78: {  	[tilespmem:s19], [sflag:$0x2] =	stream.indirect.gather [hbm4b:s4+s16], $0x80, s28, s16, $0xb8;
	[tilespmem:$0x1E400] =	vst v63  }
0x79: {  	s28 =	sadd.s32 $0x1400, s26  }
0x7a: {  	[spmem:s1] =	stream.indirect.scatter.add.f32 [tilespmem:s17], [sflag:$0x3], $0x80, s28, s16, $0xb8;
	[tilespmem:$0x1E400] =	vst v63  }
0x7b: {  	_ =	swait.ge [sflag:s14], $0x4000  }
0x7c: {  	[sflag:s14] =	ssyncset.done $0x0  }
0x7d: {  	[sflag:s14] =	ssyncadd.s32 $0xFFFFC000  }
0x7e: {  	_ =	swait.ge [sflag:s20], $0x4000  }
0x7f: {  	[sflag:s20] =	ssyncset.done $0x0  }
0x80: {  	s28 =	sadd.s32 $0x100, s26;
	[sflag:s20] =	ssyncadd.s32 $0xFFFFC000  }
0x81: {  	[tilespmem:s17], [sflag:$0x1] =	stream.indirect.gather [hbm4b:s4+s16], $0x80, s28, s16, $0xb8;
	[tilespmem:$0x1E400] =	vst v63  }
.Ltmp1:
0x82: {  	_ = 	snop;
	(pc) =	sbr.rel @p0 .LBB2_4-.Ltmp1, $4  }
0x83: {  	s26 =	sadd.s32 $0x1480, s26  }
0x84: {  	[spmem:s1] =	stream.indirect.scatter.add.f32 [tilespmem:s19], [sflag:$0x3], $0x80, s26, s16, $0xb8;
	[tilespmem:$0x1E400] =	vst v63  }
0x85: {  	_ =	swait.ge [sflag:s14], $0x4000  }
0x86: {  	[sflag:s14] =	ssyncset.done $0x0  }
0x87: {  	[sflag:s14] =	ssyncadd.s32 $0xFFFFC000  }
0x88: {  	_ =	swait.ge [sflag:s18], $0x4000  }
0x89: {  	[sflag:s18] =	ssyncset.done $0x0  }
0x8a: {  	[sflag:s18] =	ssyncadd.s32 $0xFFFFC000  }
0x8b: {  	[tilespmem:s19], [sflag:$0x2] =	stream.indirect.gather [hbm4b:s4+s16], $0x80, s21, s16, $0xb8;
	[tilespmem:$0x1E400] =	vst v63  }
0x8c: {  	_ = 	snop  }
0x8d: {  	[spmem:s1] =	stream.indirect.scatter.add.f32 [tilespmem:s17], [sflag:$0x3], $0x80, s22, s16, $0xb8;
	[tilespmem:$0x1E400] =	vst v63  }
0x8e: {  	_ =	swait.ge [sflag:s14], $0x4000  }
0x8f: {  	[sflag:s14] =	ssyncset.done $0x0  }
0x90: {  	[sflag:s14] =	ssyncadd.s32 $0xFFFFC000  }
0x91: {  	_ =	swait.ge [sflag:s20], $0x4000  }
0x92: {  	[sflag:s20] =	ssyncset.done $0x0  }
0x93: {  	[sflag:s20] =	ssyncadd.s32 $0xFFFFC000  }
0x94: {  	[spmem:s1] =	stream.indirect.scatter.add.f32 [tilespmem:s19], [sflag:$0x3], $0x80, s23, s16, $0xb8;
	[tilespmem:$0x1E400] =	vst v63  }
0x95: {  	_ =	swait.ge [sflag:s14], $0x4000  }
0x96: {  	s24 =	sadd.s32 $0x1, s24;
	[sflag:s14] =	ssyncset.done $0x0  }
0x97: {  	p0 =	sne.s32 s24, s12;
	[sflag:s14] =	ssyncadd.s32 $0xFFFFC000  }
.Ltmp2:
0x98: {  	[bflag:$0x0] =	sbarrier.arrive $0xFFFF;
	(pc) =	sbr.rel @p0 .LBB2_1-.Ltmp2, $4  }
0x99: {  	[hbm:s11], [sflag:s6] =	dma.local [spmem:s13], $0x2780  }
0x9a: {  	_ =	swait.ge [sflag:s14], $0x2780  }
0x9b: {  	[sflag:s14] =	ssyncset.done $0x0  }
0x9c: {  	[sflag:s14] =	ssyncadd.s32 $0xFFFFD880  }
0x9d: {  	_ =	sfence.sel $0x180000  }
0x9e: {  	[bflag:$0x0] =	sbarrier.arrive $0xFFFF  }
0x9f: {  	p0 =	sne.s32 s2, $0x0;
	_ =	strace $0x9000004A  }
0xa0: {  	s0 =	sadd.s32 @!p0 $0x100000, s0;
	[bflag:$0x2] =	sbarrier.arrive $0xFFFF  }
0xa1: {  	[sflag:s0] =	ssyncadd.tile.s32 @!p0 $0x1;
	_ =	shalt  }
.Lfunc_end2:
_tile_overlayer_lowered:
.L_overlay_start_2:
0xa2: {  	(tag) =	ssettag $0x2  }
0xa3: {  	s0 =	rddreg [dreg:$0x0];
	s2 =	stileid.u32  }
0xa4: {  	s1 =	rddreg [dreg:$0x1];
	p0 =	sne.s32 s2, $0x0  }
0xa5: {  	s3 =	rddreg [dreg:$0x2];
	[bflag:$0x3] =	sbarrier.arrive $0xFFFF;
	s2 =	simm.s32 @!p0 $0x1C03  }
0xa6: {  	[timem:s3], [sflag:s2] =	dma.local @!p0 [hbm:s0], s1  }
0xa7: {  	s0 =	simm.s32 @!p0 $0x3  }
0xa8: {  	_ =	swait.ge @!p0 [sflag:s0], s1  }
0xa9: {  	s1 =	ssub.s32 @!p0 $0x0, s1;
	[sflag:s0] =	ssyncset.done @!p0 $0x0  }
0xaa: {  	[sflag:s0] =	ssyncadd.s32 @!p0 s1  }
0xab: {  	[bflag:$0x3] =	sbarrier.arrive $0xFFFF  }
0xac: {  	_ =	shalt  }

// kernel: kernel.7.cloned.1.call-start
scs
__scs_entry_jumppad:
0x0: {  	(pc) =	sbr.rel $0x88, $3  }
0x1: {  	(tag) =	ssettag $0x0;
	lr =	simm.s32 $0x1  }
0x2: {  	[smem:$0x3F9A] =	sst lr;
	_ =	strace $0xD0000000  }
0x3: {  	_ = 	snop  }
0x4: {  	_ = 	snop  }
0x5: {  	_ = 	snop  }
0x6: {  	_ = 	snop  }
0x7: {  	_ = 	snop  }
__scs_overlays_trampoline_lowered:
0x8: {  	[smem:$0x3FA9] =	sst s0  }
0x9: {  	[smem:$0x3FAA] =	sst s1  }
0xa: {  	[smem:$0x3FAB] =	sst s2  }
0xb: {  	[smem:$0x3FAC] =	sst s3  }
0xc: {  	[smem:$0x3FAD] =	sst s4  }
0xd: {  	[smem:$0x3FAE] =	sst s5  }
0xe: {  	[smem:$0x3FAF] =	sst s6  }
0xf: {  	[smem:$0x3FB0] =	sst s7  }
0x10: {  	[smem:$0x3FB1] =	sst s8  }
0x11: {  	[smem:$0x3FB2] =	sst s9;
	s0 =	simm.s32 @!p0 $0x0  }
0x12: {  	s1 =	sld [smem:$0x3F98];
	s0 =	simm.s32 @p0 $0x1  }
0x13: {  	[smem:$0x3FB3] =	sst s0;
	s0 =	simm.s32 @!p1 $0x0  }
0x14: {  	s2 =	sld [smem:$0x3F97];
	s0 =	simm.s32 @p1 $0x1  }
0x15: {  	[smem:$0x3FB4] =	sst s0;
	s0 =	simm.s32 @!p2 $0x0  }
0x16: {  	s3 =	sld [smem:$0x3FDB];
	s0 =	simm.s32 @p2 $0x1  }
0x17: {  	s4 =	simm.s32 $0x1BF5;
	[smem:$0x3FB6] =	sst s0  }
0x18: {  	s0 =	sld [smem:$0x3F99];
	_ =	swait.ge [sflag:s4], $0x0  }
0x19: {  	s7 =	sld [smem:$0x3F9A]  }
0x1a: {  	s8 =	sadd.s32 $0xFFFFE003, lr  }
0x1b: {  	s9 =	sadd.s32 $0xFFFFFEF7, lr;
	s5 =	simm.s32 $0xFFFFFFFF;
	p2 =	slt.u32 s8, $0xFFFFF086  }
0x1c: {  	p1 =	slt.u32 s9, $0xF7A;
	s5 =	simm.s32 @!p2 $0x0  }
0x1d: {  	s5 =	simm.s32 @p1 $0x1;
	p0 =	seq.s32 s7, s2  }
0x1e: {  	s7 =	smul.u32 @!p0 $0xF7A, s2;
	p2 =	seq.s32 @!p0 s5, $0x0  }
0x1f: {  	s9 =	smul.u32 $0xF7A, s1;
	s8 =	simm.s32 @!p0 $0x1BF5;
	p2 =	por !p2, p0  }
0x20: {  	[sflag:s8] =	ssyncset.s32 @!p0 $0xFFFFF086;
	s6 =	sadd.s32 @!p0 s3, s7;
	s7 =	simm.s32 @!p0 $0x108  }
0x21: {  	s3 =	sadd.s32 s3, s9;
	s6 =	sadd.s32 @!p0 $0x88, s6;
	s7 =	simm.s32 @p2 $0x1082  }
0x22: {  	[simem:s7], [sflag:s8] =	dma.local @!p0 [hbm:s6], $0xF7A  }
0x23: {  	s9 =	sor.u32 $0xD0000000, s2;
	s6 =	simm.s32 $0x108;
	_ =	swait.ge @!p0 [sflag:s8], $0x0  }
0x24: {  	s3 =	sadd.s32 $0x88, s3;
	s6 =	simm.s32 @!p1 $0x1082;
	[sflag:s4] =	ssyncset.s32 $0xFFFFF086  }
0x25: {  	[simem:s6], [sflag:s4] =	dma.local [hbm:s3], $0xF7A  }
0x26: {  	[smem:$0x3F9A] =	sst s1;
	(tag) =	ssettag s2;
	_ =	strace s9  }
0x27: {  	s1 =	sld [smem:$0x3FAA]  }
0x28: {  	s2 =	sld [smem:$0x3FAB]  }
0x29: {  	s4 =	sld [smem:$0x3FAD]  }
0x2a: {  	p0 =	seq.s32 s5, $0x0;
	s5 =	sld [smem:$0x3FAE]  }
0x2b: {  	s6 =	sld [smem:$0x3FAF]  }
0x2c: {  	s7 =	sld [smem:$0x3FB0]  }
0x2d: {  	s3 =	simm.s32 $0x108;
	s8 =	sld [smem:$0x3FB1]  }
0x2e: {  	s3 =	simm.s32 @!p0 $0x1082;
	s9 =	sld [smem:$0x3FB2]  }
0x2f: {  	lr =	sadd.s32 s0, s3;
	s0 =	sld [smem:$0x3FA9]  }
0x30: {  	s3 =	sld [smem:$0x3FAC]  }
0x31: {  	[smem:$0x3FB5] =	sst s10  }
0x32: {  	s10 =	sld [smem:$0x3FB3];
	_ =	sdelay $0x3  }
0x33: {  	p0 =	seq.s32 s10, $0x1;
	s10 =	sld [smem:$0x3FB5];
	_ =	sdelay $0x3  }
0x34: {  	[smem:$0x3FB5] =	sst s10  }
0x35: {  	s10 =	sld [smem:$0x3FB4];
	_ =	sdelay $0x3  }
0x36: {  	p1 =	seq.s32 s10, $0x1;
	s10 =	sld [smem:$0x3FB5];
	_ =	sdelay $0x3  }
0x37: {  	[smem:$0x3FB5] =	sst s10  }
0x38: {  	s10 =	sld [smem:$0x3FB6]  }
0x39: {  	_ = 	snop;
	(pc) =	sbr.ind lr, $3  }
0x3a: {  	_ = 	snop  }
0x3b: {  	_ = 	snop  }
0x3c: {  	p2 =	seq.s32 s10, $0x1;
	s10 =	sld [smem:$0x3FB5]  }
0x3d: {  	_ =	shalt  }
0x3e: {  	_ =	shalt  }
0x3f: {  	_ =	shalt  }
0x40: {  	_ =	shalt  }
0x41: {  	_ =	shalt  }
0x42: {  	_ =	shalt  }
0x43: {  	_ =	shalt  }
0x44: {  	_ =	shalt  }
0x45: {  	_ =	shalt  }
0x46: {  	_ =	shalt  }
0x47: {  	_ =	shalt  }
0x48: {  	_ =	shalt  }
0x49: {  	_ =	shalt  }
0x4a: {  	_ =	shalt  }
0x4b: {  	_ =	shalt  }
0x4c: {  	_ =	shalt  }
0x4d: {  	_ =	shalt  }
0x4e: {  	_ =	shalt  }
0x4f: {  	_ =	shalt  }
0x50: {  	_ =	shalt  }
0x51: {  	_ =	shalt  }
0x52: {  	_ =	shalt  }
0x53: {  	_ =	shalt  }
0x54: {  	_ =	shalt  }
0x55: {  	_ =	shalt  }
0x56: {  	_ =	shalt  }
0x57: {  	_ =	shalt  }
0x58: {  	_ =	shalt  }
0x59: {  	_ =	shalt  }
0x5a: {  	_ =	shalt  }
0x5b: {  	_ =	shalt  }
0x5c: {  	_ =	shalt  }
0x5d: {  	_ =	shalt  }
0x5e: {  	_ =	shalt  }
0x5f: {  	_ =	shalt  }
0x60: {  	_ =	shalt  }
0x61: {  	_ =	shalt  }
0x62: {  	_ =	shalt  }
0x63: {  	_ =	shalt  }
0x64: {  	_ =	shalt  }
0x65: {  	_ =	shalt  }
0x66: {  	_ =	shalt  }
0x67: {  	_ =	shalt  }
0x68: {  	_ =	shalt  }
0x69: {  	_ =	shalt  }
0x6a: {  	_ =	shalt  }
0x6b: {  	_ =	shalt  }
0x6c: {  	_ =	shalt  }
0x6d: {  	_ =	shalt  }
0x6e: {  	_ =	shalt  }
0x6f: {  	_ =	shalt  }
0x70: {  	_ =	shalt  }
0x71: {  	_ =	shalt  }
0x72: {  	_ =	shalt  }
0x73: {  	_ =	shalt  }
0x74: {  	_ =	shalt  }
0x75: {  	_ =	shalt  }
0x76: {  	_ =	shalt  }
0x77: {  	_ =	shalt  }
0x78: {  	_ =	shalt  }
0x79: {  	_ =	shalt  }
0x7a: {  	_ =	shalt  }
0x7b: {  	_ =	shalt  }
0x7c: {  	_ =	shalt  }
0x7d: {  	_ =	shalt  }
0x7e: {  	_ =	shalt  }
0x7f: {  	_ =	shalt  }
0x80: {  	_ =	shalt  }
0x81: {  	_ =	shalt  }
0x82: {  	_ =	shalt  }
0x83: {  	_ =	shalt  }
0x84: {  	_ =	shalt  }
0x85: {  	_ =	shalt  }
0x86: {  	_ =	shalt  }
0x87: {  	_ =	shalt  }
.Lfunc_end0:
.L_simem_size_0:
called_computation_lowered:
.L_overlay_start_0:
0x88: {  	s2 =	sld [smem:$0x3FD9]  }
0x89: {  	s3 =	sld [smem:$0x3FFE];
	_ =	sdelay $0x1  }
0x8a: {  	s1 =	srdreg.scid  }
0x8b: {  	s0 =	sand.u32 $0x1, s1  }
0x8c: {  	s17 =	sshll.u32 s0, $0xA;
	s2 =	sadd.s32 s3, s2  }
0x8d: {  	s2 =	sadd.s32 s2, s17  }
0x8e: {  	[smem:$0x3FC1] =	sst s2  }
0x8f: {  	_ = 	snop  }
0x90: {  	s2 =	sld [smem:$0x3FD0];
	(tm) =	ssettm $0x1  }
0x91: {  	s18 =	sld [smem:$0x3FFB];
	_ =	sdelay $0x3  }
0x92: {  	_ =	strace s18  }
0x93: {  	s3 =	sld [smem:$0x3FFC];
	_ =	sdelay $0x3  }
0x94: {  	_ =	strace s3  }
0x95: {  	s3 =	sld [smem:$0x3FFD];
	_ =	sdelay $0x3  }
0x96: {  	_ =	strace s3  }
0x97: {  	_ =	strace $0x8FFFFFFF  }
0x98: {  	s19 =	sld [smem:$0x3FDB];
	_ =	sdelay $0x1  }
0x99: {  	s4 =	simm.s32 $_scs_section_size  }
0x9a: {  	s5 =	simm.s32 $_size__tile_overlayer_lowered;
	s6 =	simm.s32 $_tile_overlayer_lowered  }
0x9b: {  	s22 =	simm.s32 $0x1BFF;
	s21 =	sshll.u32 s6, $0x1;
	s3 =	sadd.s32 s4, s19  }
0x9c: {  	s7 =	simm.s32 $0x0;
	s20 =	sshll.u32 s5, $0x1;
	s5 =	sadd.s32 s21, s3  }
0x9d: {  	[timem:s7], [sflag:s22] =	dma.local [hbm:s5], s20  }
0x9e: {  	_ =	swait.ge [sflag:s22], s20  }
0x9f: {  	s4 =	ssub.s32 $0x0, s20;
	[sflag:s22] =	ssyncset.done $0x0  }
0xa0: {  	[sflag:s22] =	ssyncadd.s32 s4;
	_ =	sdelay $0x1  }
0xa1: {  	s23 =	simm.s32 $0x1B8B  }
0xa2: {  	_ =	swait.ge [sflag:s23], $0x1  }
0xa3: {  	[sflag:s23] =	ssyncset.done $0x0  }
0xa4: {  	s25 =	simm.s32 $0x1B8E;
	s24 =	sld [smem:$0x3FFE];
	[sflag:s23] =	ssyncadd.s32 $0xFFFFFFFF  }
0xa5: {  	s26 =	simm.s32 $execute0_lowered;
	[smem:$0x3FD2] =	sst s25  }
0xa6: {  	s5 =	sshll.u32 s26, $0x1;
	_ =	strace $0x80000046;
	[dreg:$0x1] =	wrdreg $0xFFFFFFFF  }
0xa7: {  	s28 =	simm.s32 $_size_execute0_lowered;
	s3 =	sadd.s32 s3, s5;
	[dreg:$0x0] =	wrdreg $0x0  }
0xa8: {  	s5 =	sshll.u32 s28, $0x1;
	[dreg:$0x2] =	wrdreg s3  }
0xa9: {  	[dreg:$0x3] =	wrdreg s5  }
0xaa: {  	[dreg:$0x4] =	wrdreg $0xC0  }
0xab: {  	_ =	task [dreg:s7], $0x5FFFF  }
0xac: {  	[dreg:$0x1] =	wrdreg $0xFFFFFFFF  }
0xad: {  	[dreg:$0x0] =	wrdreg $0x60  }
0xae: {  	[dreg:$0x2] =	wrdreg s24  }
0xaf: {  	[dreg:$0x3] =	wrdreg s2  }
0xb0: {  	[dreg:$0x4] =	wrdreg $0x28800  }
0xb1: {  	[dreg:$0x5] =	wrdreg $0x9  }
0xb2: {  	_ =	task.clear_ibuf [dreg:s7], $0x6FFFF;
	_ =	strace $0x90000046  }
0xb3: {  	s29 =	simm.s32 $0x9;
	_ =	strace $0x80000048  }
0xb4: {  	_ =	swait.ge [sflag:s29], $0x1  }
0xb5: {  	[sflag:s29] =	ssyncadd.s32 $0xFFFFFFFF  }
0xb6: {  	_ =	strace $0x90000048  }
0xb7: {  	_ =	sfence  }
0xb8: {  	s30 =	sld [smem:$0x0];
	_ =	sdelay $0x2  }
0xb9: {  	s31 =	sshll.u32 s1, $0xD;
	s1 =	sshrl.u32 s1, $0x2  }
0xba: {  	s3 =	sand.u32 $0x4000, s31;
	s1 =	sadd.s32 s1, s30  }
0xbb: {  	s0 =	sor.u32 s3, s0;
	s1 =	sshll.u32 s1, $0x11  }
0xbc: {  	s0 =	sor.u32 s1, s0  }
0xbd: {  	s0 =	sadd.s32 $0x8F2B, s0  }
0xbe: {  	[sflag:s0] =	ssyncadd.remote.s32 $0x1  }
0xbf: {  	_ =	sfence.sel $0xFFFF  }
0xc0: {  	[dreg:$0x0] =	wrdreg $0xFFFFFFFF;
	(pc) =	sbr.abs _section_cstart, $3  }
0xc1: {  	[dreg:$0x1] =	wrdreg $0xFFFFFFFF  }
0xc2: {  	_ =	task.clear_ibuf [dreg:s7], $0x2FFFF;
	_ =	strace $0x9FFFFFFF  }
0xc3: {  	(tm) =	ssettm $0x7FFFFFFF  }
tec
execute0_lowered:
.L_overlay_start_1:
0x0: {  	(tag) =	ssettag $0x1  }
0x1: {  	s6 =	rddreg [dreg:$0x0]  }
0x2: {  	s2 =	rddreg [dreg:$0x1]  }
0x3: {  	s0 =	srdreg.scid;
	s3 =	rddreg [dreg:$0x2]  }
0x4: {  	s1 =	stileid.u32;
	s4 =	simm.s32 $0x0;
	s13 =	simm.s32 $0x80  }
0x5: {  	s14 =	simm.s32 $0x0;
	s5 =	sand.u32 $0x1, s0;
	s0 =	rddreg [dreg:$0x3]  }
0x6: {  	s8 =	smul.u32 $0x278, s1;
	[smem:$0x7FF] =	sst s4;
	s11 =	sshll.u32 s1, $0x6  }
0x7: {  	s7 =	sshll.u32 s5, $0x4;
	s9 =	smul.u32 $0x2780, s5;
	_ =	strace $0x80000047  }
0x8: {  	s10 =	ssub.s32 $0x2, s5;
	s5 =	sadd.s32 $0x16400, s6;
	s11 =	sor.u32 $0x1C01, s11  }
0x9: {  	s7 =	sor.u32 s1, s7;
	s31 =	sshrl.u32 s10, $0x1;
	s12 =	sadd.s32 s8, s3  }
0xa: {  	s7 =	smul.u32 $0x500, s7;
	s9 =	sadd.s32 s8, s9;
	s10 =	ssub.s32 s10, s31  }
0xb: {  	s12 =	sshrl.u32 s12, $0x3;
	s9 =	sshrl.u32 s9, $0x3;
	s8 =	smax.u32 s10, $0x1  }
0xc: {  	s10 =	simm.s32 $0x2800;
	s7 =	sadd.s32 s7, s6;
	s9 =	sadd.s32 s9, s6  }
0xd: {  	s6 =	sadd.s32 $0x2400, s7;
	s7 =	sadd.s32 $0x16600, s9;
	s9 =	simm.s32 $0x1  }
.LBB2_1:
0xe: {  	[tilespmem:s4], [sflag:$0x1] =	stream.linear.gather [hbm4b:s6+s4], $0x2800, $0x38;
	[tilespmem:$0x2AF8] =	vst v63  }
0xf: {  	_ =	swait.ge [sflag:s9], $0x2800  }
0x10: {  	[sflag:s9] =	ssyncset.done $0x0  }
0x11: {  	[sflag:s9] =	ssyncadd.s32 $0xFFFFD800  }
0x12: {  	[tilespmem:s10], [sflag:$0x1] =	stream.linear.gather [hbm4b:s5+s4], $0x80, $0x38;
	[tilespmem:$0x2AF8] =	vst v63  }
0x13: {  	_ =	swait.ge [sflag:s9], $0x80  }
0x14: {  	[sflag:s9] =	ssyncset.done $0x0  }
0x15: {  	[sflag:s9] =	ssyncadd.s32 $0xFFFFFF80  }
0x16: {  	[spmem:s12], [sflag:s11] =	dma.local [hbm:s2], $0x4F  }
0x17: {  	_ =	swait.ge [sflag:s9], $0x4F  }
0x18: {  	[sflag:s9] =	ssyncset.done $0x0  }
0x19: {  	[sflag:s9] =	ssyncadd.s32 $0xFFFFFFB1  }
0x1a: {  	s15 =	simm.s32 $0x0;
	[bflag:$0x0] =	sbarrier.arrive $0xFFFF  }
0x1b: {  	[spmem:s3] =	stream.indirect.scatter.add.f32 [tilespmem:s10], [sflag:$0x1], $0x1, s15, s13, $0xb8;
	[tilespmem:$0x2AF8] =	vst v63  }
0x1c: {  	_ =	swait.ge [sflag:s9], $0x80  }
0x1d: {  	s15 =	simm.s32 $0x200;
	[sflag:s9] =	ssyncset.done $0x0  }
.LBB2_2:
0x1e: {  	s16 =	sshra.s32 s15, $0x2;
	[sflag:s9] =	ssyncadd.s32 $0xFFFFFF80;
	p0 =	sne.s32 s15, $0x9E00  }
0x1f: {  	[spmem:s3] =	stream.indirect.scatter.add.f32 [tilespmem:s10], [sflag:$0x1], $0x1, s16, s13, $0xb8;
	[tilespmem:$0x2AF8] =	vst v63  }
.Ltmp0:
0x20: {  	_ = 	snop;
	(pc) =	sbr.rel @p0 .LBB2_2-.Ltmp0, $4  }
0x21: {  	_ = 	snop  }
0x22: {  	s15 =	sadd.s32 $0x200, s15  }
0x23: {  	_ =	swait.ge [sflag:s9], $0x80  }
0x24: {  	[sflag:s9] =	ssyncset.done $0x0  }
0x25: {  	s14 =	sadd.s32 $0x1, s14  }
0x26: {  	[sflag:s9] =	ssyncadd.s32 $0xFFFFFF80;
	p0 =	sne.s32 s14, s8  }
.Ltmp1:
0x27: {  	[bflag:$0x0] =	sbarrier.arrive $0xFFFF;
	(pc) =	sbr.rel @p0 .LBB2_1-.Ltmp1, $4  }
0x28: {  	[hbm:s7], [sflag:s11] =	dma.local [spmem:s12], $0x4F  }
0x29: {  	_ =	swait.ge [sflag:s9], $0x4F  }
0x2a: {  	[sflag:s9] =	ssyncset.done $0x0  }
0x2b: {  	[sflag:s9] =	ssyncadd.s32 $0xFFFFFFB1  }
0x2c: {  	_ =	sfence.sel $0x180000  }
0x2d: {  	[bflag:$0x0] =	sbarrier.arrive $0xFFFF  }
0x2e: {  	p0 =	sne.s32 s1, $0x0;
	_ =	strace $0x90000047  }
0x2f: {  	s0 =	sadd.s32 @!p0 $0x100000, s0;
	[bflag:$0x2] =	sbarrier.arrive $0xFFFF  }
0x30: {  	[sflag:s0] =	ssyncadd.tile.s32 @!p0 $0x1;
	_ =	shalt  }
.Lfunc_end2:
_tile_overlayer_lowered:
.L_overlay_start_2:
0x31: {  	(tag) =	ssettag $0x2  }
0x32: {  	s0 =	rddreg [dreg:$0x0];
	s2 =	stileid.u32  }
0x33: {  	s1 =	rddreg [dreg:$0x1];
	p0 =	sne.s32 s2, $0x0  }
0x34: {  	s3 =	rddreg [dreg:$0x2];
	[bflag:$0x3] =	sbarrier.arrive $0xFFFF;
	s2 =	simm.s32 @!p0 $0x1C01  }
0x35: {  	[timem:s3], [sflag:s2] =	dma.local @!p0 [hbm:s0], s1  }
0x36: {  	s0 =	simm.s32 @!p0 $0x1  }
0x37: {  	_ =	swait.ge @!p0 [sflag:s0], s1  }
0x38: {  	s1 =	ssub.s32 @!p0 $0x0, s1;
	[sflag:s0] =	ssyncset.done @!p0 $0x0  }
0x39: {  	[sflag:s0] =	ssyncadd.s32 @!p0 s1  }
0x3a: {  	[bflag:$0x3] =	sbarrier.arrive $0xFFFF  }
0x3b: {  	_ =	shalt  }

</sc_bundles>
